<compile_context>
chip_gen: v7x
topology: tpu7x:2x2x1
jax: 0.10.2.dev20260603
libtpu: 0.0.44.dev20260713+nightly
codegen_flags: <defaults>
</compile_context>

<pallas_src>
import functools

import jax
import jax.numpy as jnp
from jax import lax
from jax.experimental import pallas as pl
from jax.experimental.pallas import tpu as pltpu
from jax.experimental.pallas import tpu_sc as plsc

D = 128
B = 16384
NC = 2
NS = 16
NW = NC * NS
BW = B // NW
NCHUNK = 4
CW = BW // NCHUNK

_mesh = plsc.VectorSubcoreMesh(core_axis_name="c", subcore_axis_name="s")


@functools.partial(
    pl.kernel,
    out_type=[
        jax.ShapeDtypeStruct((B, D), jnp.float32),
        jax.ShapeDtypeStruct((B,), jnp.int32),
        jax.ShapeDtypeStruct((16,), jnp.float32),
    ],
    mesh=_mesh,
    scratch_types=[
        pltpu.VMEM((BW + 16,), jnp.int32),
        pltpu.VMEM((BW + 16,), jnp.int32),
        [pltpu.VMEM((CW, D), jnp.float32) for _ in range(NCHUNK)],
        pltpu.VMEM((16,), jnp.float32),
        [pltpu.SemaphoreType.DMA for _ in range(NCHUNK)],
        pltpu.SemaphoreType.DMA,
        pltpu.SemaphoreType.DMA,
    ],
)
def _gather_kernel(n_id_hbm, lu_hbm, init_hbm, mem_hbm,
                   out_mem, out_lu, out_loss,
                   idx_v, lu_v, rows, loss_v, gsems, wsem, lsem):
    wid = lax.axis_index("s") * NC + lax.axis_index("c")
    base = wid * BW

    idx_w = idx_v.at[pl.ds(0, BW)]
    lu_w = lu_v.at[pl.ds(0, BW)]
    pltpu.sync_copy(n_id_hbm.at[pl.ds(base, BW)], idx_w)
    c_rows = [
        pltpu.async_copy(
            init_hbm.at[idx_v.at[pl.ds(c * CW, CW)]], rows[c], gsems[c])
        for c in range(NCHUNK)
    ]
    c_lu = pltpu.async_copy(lu_hbm.at[idx_w], lu_w, lsem)

    c_w = []
    for c in range(NCHUNK):
        c_rows[c].wait()
        c_w.append(pltpu.async_copy(
            rows[c], out_mem.at[pl.ds(base + c * CW, CW)], wsem))

    c_lu.wait()
    pltpu.sync_copy(lu_w, out_lu.at[pl.ds(base, BW)])

    def _or_stale(i, acc):
        chunk = lu_v[pl.ds(i * 16, 16)]
        return acc | (chunk ^ jnp.full((16,), -1, jnp.int32))

    acc = lax.fori_loop(0, BW // 16, _or_stale, jnp.zeros((16,), jnp.int32))
    n_stale = acc[0]
    for j in range(1, 16):
        n_stale = n_stale | acc[j]

    for c in range(NCHUNK):
        c_w[c].wait()

    @pl.when(n_stale != 0)
    def _general_path():
        for c in range(NCHUNK):
            def _fix_row_c(r, carry, c=c):
                g = c * CW + r
                lur = lu_v[pl.ds(g, 16)][0]
                nid_r = idx_v[pl.ds(g, 16)][0]

                @pl.when(lur != -1)
                def _():
                    def _copy_mem_row(sem):
                        pltpu.async_copy(
                            mem_hbm.at[nid_r], rows[c].at[r], sem).wait()
                    pl.run_scoped(_copy_mem_row, pltpu.SemaphoreType.DMA)
                return carry

            lax.fori_loop(0, CW, _fix_row_c, jnp.int32(0))
            pltpu.sync_copy(rows[c], out_mem.at[pl.ds(base + c * CW, CW)])

    @pl.when(wid == 0)
    def _write_loss():
        loss_v[...] = jnp.zeros((16,), jnp.float32)
        pltpu.sync_copy(loss_v, out_loss)


def kernel(n_id, memory, last_update, init_memory, W_ih, W_hh, b_ih, b_hh):
    mem, lu, loss_v = _gather_kernel(n_id, last_update, init_memory, memory)
    return mem, lu, loss_v[0]

# --- scband reference (transcript-rebuilt; emitter-appended) ---
"""Pipeline reference for scband-tgnplmemory-32615981645895 (READ-ONLY COPY).

The authoritative reference and input builder live on the scoring server;
editing this copy changes nothing except your own understanding.
"""

import jax, jax.numpy as jnp
import numpy as np

NUM_NODES = 100000
MEMORY_DIM = 128
RAW_MSG_DIM = 64
TIME_DIM = 128
MSG_DIM = 3 * MEMORY_DIM + RAW_MSG_DIM + TIME_DIM  # IdentityMessage.out_channels = 576
B = 16384


def setup_inputs(seed: int = 0) -> dict:
    key = jax.random.key(seed)
    ks = jax.random.split(key, 8)
    n_id = jnp.sort(jax.random.randint(ks[0], (B,), 0, NUM_NODES))
    # buffers after reset_state(): memory zeroed, last_update all -1
    memory = jnp.zeros((NUM_NODES, MEMORY_DIM), jnp.float32)
    last_update = -jnp.ones((NUM_NODES,), jnp.int32)
    # learnable init_memory Embedding table
    init_memory = jax.random.normal(ks[1], (NUM_NODES, MEMORY_DIM), jnp.float32) * 0.02
    # GRUCell parameters (input size = MSG_DIM, hidden size = MEMORY_DIM)
    W_ih = jax.random.normal(ks[2], (3 * MEMORY_DIM, MSG_DIM), jnp.float32) * 0.05
    W_hh = jax.random.normal(ks[3], (3 * MEMORY_DIM, MEMORY_DIM), jnp.float32) * 0.05
    b_ih = jnp.zeros((3 * MEMORY_DIM,), jnp.float32)
    b_hh = jnp.zeros((3 * MEMORY_DIM,), jnp.float32)
    return {"n_id": n_id, "memory": memory, "last_update": last_update,
            "init_memory": init_memory, "W_ih": W_ih, "W_hh": W_hh,
            "b_ih": b_ih, "b_hh": b_hh}


def _gru_cell(x, h, W_ih, W_hh, b_ih, b_hh):
    gi = x @ W_ih.T + b_ih
    gh = h @ W_hh.T + b_hh
    H = h.shape[1]
    i_r, i_z, i_n = gi[:, :H], gi[:, H:2 * H], gi[:, 2 * H:]
    h_r, h_z, h_n = gh[:, :H], gh[:, H:2 * H], gh[:, 2 * H:]
    r = jax.nn.sigmoid(i_r + h_r)
    z = jax.nn.sigmoid(i_z + h_z)
    n = jnp.tanh(i_n + r * h_n)
    return (1.0 - z) * n + z * h


def reference(n_id, memory, last_update, init_memory, W_ih, W_hh, b_ih, b_hh):
    # training-mode forward: _get_updated_memory(n_id) right after reset_state(),
    # so all three message stores are empty.
    Bn = n_id.shape[0]
    num_nodes = memory.shape[0]
    # self._assoc[n_id] = arange  (scatter-overwrite into node-indexed buffer)
    assoc = jnp.zeros((num_nodes,), jnp.int32).at[n_id].set(jnp.arange(Bn, dtype=jnp.int32))
    msg_dim = W_ih.shape[1]
    # empty msg stores -> concatenated msg/t/idx are empty; LastAggregator returns zeros[Bn, msg_dim]
    aggr = jnp.zeros((Bn, msg_dim), memory.dtype)
    mem = jnp.take(memory, n_id, axis=0)
    lu = jnp.take(last_update, n_id, axis=0)
    use_init = (lu == -1)
    # memory[use_init] = self.init_memory(n_id[use_init])
    mem = jnp.where(use_init[:, None], jnp.take(init_memory, n_id, axis=0), mem)
    new_mem = _gru_cell(aggr, mem, W_ih, W_hh, b_ih, b_hh)
    # has_new_messages = isin(n_id, idx); idx is empty -> all False -> update_loss = 0
    has_new = jnp.zeros((Bn,), bool)
    update_loss = jnp.float32(0.0)
    mem = jnp.where(has_new[:, None], new_mem, mem)
    return mem, lu, update_loss

if __name__ == "__main__":
    import jax
    _d = setup_inputs()
    print(jax.jit(kernel)(*tuple(_d.values())))

</pallas_src>

<mosaic_0001>
#map = affine_map<(d0, d1) -> (0)>
#map1 = affine_map<(d0, d1) -> (0, 0)>
module attributes {stable_mosaic.version = 14 : i64} {
  func.func @_gather_kernel(%arg0: i32, %arg1: i32, %arg2: memref<16384xi32, #tpu.memory_space<hbm>>, %arg3: memref<100000xi32, #tpu.memory_space<hbm>>, %arg4: memref<100000x128xf32, #tpu.memory_space<hbm>>, %arg5: memref<100000x128xf32, #tpu.memory_space<hbm>>, %arg6: memref<16384x128xf32, #tpu.memory_space<hbm>>, %arg7: memref<16384xi32, #tpu.memory_space<hbm>>, %arg8: memref<16xf32, #tpu.memory_space<hbm>>, %arg9: memref<528xi32, #tpu.memory_space<vmem>>, %arg10: memref<528xi32, #tpu.memory_space<vmem>>, %arg11: memref<128x128xf32, #tpu.memory_space<vmem>>, %arg12: memref<128x128xf32, #tpu.memory_space<vmem>>, %arg13: memref<128x128xf32, #tpu.memory_space<vmem>>, %arg14: memref<128x128xf32, #tpu.memory_space<vmem>>, %arg15: memref<16xf32, #tpu.memory_space<vmem>>, %arg16: memref<!tpu.dma_semaphore, #tpu.memory_space<semaphore_mem>>, %arg17: memref<!tpu.dma_semaphore, #tpu.memory_space<semaphore_mem>>, %arg18: memref<!tpu.dma_semaphore, #tpu.memory_space<semaphore_mem>>, %arg19: memref<!tpu.dma_semaphore, #tpu.memory_space<semaphore_mem>>, %arg20: memref<!tpu.dma_semaphore, #tpu.memory_space<semaphore_mem>>, %arg21: memref<!tpu.dma_semaphore, #tpu.memory_space<semaphore_mem>>) attributes {dimension_semantics = [#tpu.dimension_semantics<core_parallel>, #tpu.dimension_semantics<subcore_parallel>], iteration_bounds = array<i64: 2, 16>, scalar_prefetch = 0 : i64, scratch_operands = 13 : i64, tpu.core_type = #tpu.core_type<sc_vector_subcore>, window_params = [{transform_indices = #map}, {transform_indices = #map}, {transform_indices = #map1}, {transform_indices = #map1}, {transform_indices = #map1}, {transform_indices = #map}, {transform_indices = #map}]} {
    %mul3A = arith.constant 2 : i32
    %mul3A_0 = arith.muli %arg1, %mul3A : i32
    %add3A = arith.addi %mul3A_0, %arg0 : i32
    %mul3A_1 = arith.constant 512 : i32
    %mul3A_2 = arith.muli %add3A, %mul3A_1 : i32
    "tpu.region"() ({
      %run_scoped3A = tpu.sem_alloc : memref<!tpu.dma_semaphore, #tpu.memory_space<semaphore_mem>>
      %dma_start3A_149 = arith.constant 0 : i32
      %dma_start3A_150 = tpu.memref_slice %arg9[%dma_start3A_149] : memref<528xi32, #tpu.memory_space<vmem>> -> memref<512xi32, #tpu.memory_space<vmem>>
      %dma_start3A_151 = tpu.memref_slice %arg2[%mul3A_2] : memref<16384xi32, #tpu.memory_space<hbm>> -> memref<512xi32, #tpu.memory_space<hbm>>
      %dma_start3A_152 = arith.constant 0 : i32
      %dma_start3A_153 = tpu.memref_slice %arg9[%dma_start3A_152] : memref<528xi32, #tpu.memory_space<vmem>> -> memref<512xi32, #tpu.memory_space<vmem>>
      %dma_start3A_154 = tpu.memref_slice %arg2[%mul3A_2] : memref<16384xi32, #tpu.memory_space<hbm>> -> memref<512xi32, #tpu.memory_space<hbm>>
      tpu.enqueue_dma source(%dma_start3A_154 : memref<512xi32, #tpu.memory_space<hbm>>) target(%dma_start3A_153 : memref<512xi32, #tpu.memory_space<vmem>>) target_semaphore(%run_scoped3A : memref<!tpu.dma_semaphore, #tpu.memory_space<semaphore_mem>>)
      %dma_wait3A_155 = arith.constant 0 : i32
      %dma_wait3A_156 = tpu.memref_slice %arg9[%dma_wait3A_155] : memref<528xi32, #tpu.memory_space<vmem>> -> memref<512xi32, #tpu.memory_space<vmem>>
      %dma_wait3A_157 = tpu.memref_slice %arg2[%mul3A_2] : memref<16384xi32, #tpu.memory_space<hbm>> -> memref<512xi32, #tpu.memory_space<hbm>>
      %dma_wait3A_158 = arith.constant 0 : i32
      %dma_wait3A_159 = tpu.memref_slice %arg9[%dma_wait3A_158] : memref<528xi32, #tpu.memory_space<vmem>> -> memref<512xi32, #tpu.memory_space<vmem>>
      %dma_wait3A_160 = tpu.memref_slice %arg2[%mul3A_2] : memref<16384xi32, #tpu.memory_space<hbm>> -> memref<512xi32, #tpu.memory_space<hbm>>
      tpu.wait_dma2 semaphore(%run_scoped3A : memref<!tpu.dma_semaphore, #tpu.memory_space<semaphore_mem>>) src(%dma_wait3A_160 : memref<512xi32, #tpu.memory_space<hbm>>) dst(%dma_wait3A_159 : memref<512xi32, #tpu.memory_space<vmem>>)
      tpu.yield
    }) : () -> ()
    %dma_start3A = arith.constant 0 : i32
    %dma_start3A_3 = tpu.memref_slice %arg9[%dma_start3A] : memref<528xi32, #tpu.memory_space<vmem>> -> memref<128xi32, #tpu.memory_space<vmem>>
    %dma_start3A_4 = arith.constant 0 : i32
    %dma_start3A_5 = arith.constant 0 : i32
    %dma_start3A_6 = tpu.memref_slice %arg4[%dma_start3A_4, %dma_start3A_5] : memref<100000x128xf32, #tpu.memory_space<hbm>> -> memref<100000x128xf32, #tpu.memory_space<hbm>>
    tpu.enqueue_indirect_dma source(%dma_start3A_6 : memref<100000x128xf32, #tpu.memory_space<hbm>>) target(%arg11 : memref<128x128xf32, #tpu.memory_space<vmem>>) offsets(%dma_start3A_3 : memref<128xi32, #tpu.memory_space<vmem>>) semaphore(%arg16 : memref<!tpu.dma_semaphore, #tpu.memory_space<semaphore_mem>>)
    %dma_start3A_7 = arith.constant 128 : i32
    %dma_start3A_8 = tpu.memref_slice %arg9[%dma_start3A_7] : memref<528xi32, #tpu.memory_space<vmem>> -> memref<128xi32, #tpu.memory_space<vmem>>
    %dma_start3A_9 = arith.constant 0 : i32
    %dma_start3A_10 = arith.constant 0 : i32
    %dma_start3A_11 = tpu.memref_slice %arg4[%dma_start3A_9, %dma_start3A_10] : memref<100000x128xf32, #tpu.memory_space<hbm>> -> memref<100000x128xf32, #tpu.memory_space<hbm>>
    tpu.enqueue_indirect_dma source(%dma_start3A_11 : memref<100000x128xf32, #tpu.memory_space<hbm>>) target(%arg12 : memref<128x128xf32, #tpu.memory_space<vmem>>) offsets(%dma_start3A_8 : memref<128xi32, #tpu.memory_space<vmem>>) semaphore(%arg17 : memref<!tpu.dma_semaphore, #tpu.memory_space<semaphore_mem>>)
    %dma_start3A_12 = arith.constant 256 : i32
    %dma_start3A_13 = tpu.memref_slice %arg9[%dma_start3A_12] : memref<528xi32, #tpu.memory_space<vmem>> -> memref<128xi32, #tpu.memory_space<vmem>>
    %dma_start3A_14 = arith.constant 0 : i32
    %dma_start3A_15 = arith.constant 0 : i32
    %dma_start3A_16 = tpu.memref_slice %arg4[%dma_start3A_14, %dma_start3A_15] : memref<100000x128xf32, #tpu.memory_space<hbm>> -> memref<100000x128xf32, #tpu.memory_space<hbm>>
    tpu.enqueue_indirect_dma source(%dma_start3A_16 : memref<100000x128xf32, #tpu.memory_space<hbm>>) target(%arg13 : memref<128x128xf32, #tpu.memory_space<vmem>>) offsets(%dma_start3A_13 : memref<128xi32, #tpu.memory_space<vmem>>) semaphore(%arg18 : memref<!tpu.dma_semaphore, #tpu.memory_space<semaphore_mem>>)
    %dma_start3A_17 = arith.constant 384 : i32
    %dma_start3A_18 = tpu.memref_slice %arg9[%dma_start3A_17] : memref<528xi32, #tpu.memory_space<vmem>> -> memref<128xi32, #tpu.memory_space<vmem>>
    %dma_start3A_19 = arith.constant 0 : i32
    %dma_start3A_20 = arith.constant 0 : i32
    %dma_start3A_21 = tpu.memref_slice %arg4[%dma_start3A_19, %dma_start3A_20] : memref<100000x128xf32, #tpu.memory_space<hbm>> -> memref<100000x128xf32, #tpu.memory_space<hbm>>
    tpu.enqueue_indirect_dma source(%dma_start3A_21 : memref<100000x128xf32, #tpu.memory_space<hbm>>) target(%arg14 : memref<128x128xf32, #tpu.memory_space<vmem>>) offsets(%dma_start3A_18 : memref<128xi32, #tpu.memory_space<vmem>>) semaphore(%arg19 : memref<!tpu.dma_semaphore, #tpu.memory_space<semaphore_mem>>)
    %dma_start3A_22 = arith.constant 0 : i32
    %dma_start3A_23 = tpu.memref_slice %arg10[%dma_start3A_22] : memref<528xi32, #tpu.memory_space<vmem>> -> memref<512xi32, #tpu.memory_space<vmem>>
    %dma_start3A_24 = arith.constant 0 : i32
    %dma_start3A_25 = tpu.memref_slice %arg9[%dma_start3A_24] : memref<528xi32, #tpu.memory_space<vmem>> -> memref<512xi32, #tpu.memory_space<vmem>>
    %dma_start3A_26 = arith.constant 0 : i32
    %dma_start3A_27 = tpu.memref_slice %arg3[%dma_start3A_26] : memref<100000xi32, #tpu.memory_space<hbm>> -> memref<100000xi32, #tpu.memory_space<hbm>>
    tpu.enqueue_indirect_dma source(%dma_start3A_27 : memref<100000xi32, #tpu.memory_space<hbm>>) target(%dma_start3A_23 : memref<512xi32, #tpu.memory_space<vmem>>) offsets(%dma_start3A_25 : memref<512xi32, #tpu.memory_space<vmem>>) semaphore(%arg21 : memref<!tpu.dma_semaphore, #tpu.memory_space<semaphore_mem>>)
    %dma_wait3A = arith.constant 0 : i32
    %dma_wait3A_28 = tpu.memref_slice %arg9[%dma_wait3A] : memref<528xi32, #tpu.memory_space<vmem>> -> memref<128xi32, #tpu.memory_space<vmem>>
    %dma_wait3A_29 = arith.constant 0 : i32
    %dma_wait3A_30 = arith.constant 0 : i32
    %dma_wait3A_31 = tpu.memref_slice %arg4[%dma_wait3A_29, %dma_wait3A_30] : memref<100000x128xf32, #tpu.memory_space<hbm>> -> memref<100000x128xf32, #tpu.memory_space<hbm>>
    tpu.wait_indirect_dma semaphore(%arg16 : memref<!tpu.dma_semaphore, #tpu.memory_space<semaphore_mem>>) src(%dma_wait3A_31 : memref<100000x128xf32, #tpu.memory_space<hbm>>) dst(%arg11 : memref<128x128xf32, #tpu.memory_space<vmem>>)
    %add3A_32 = arith.constant 0 : i32
    %add3A_33 = arith.addi %mul3A_2, %add3A_32 : i32
    %dma_start3A_34 = arith.constant 0 : i32
    %dma_start3A_35 = tpu.memref_slice %arg6[%add3A_33, %dma_start3A_34] : memref<16384x128xf32, #tpu.memory_space<hbm>> -> memref<128x128xf32, #tpu.memory_space<hbm>>
    %dma_start3A_36 = arith.constant 0 : i32
    %dma_start3A_37 = tpu.memref_slice %arg6[%add3A_33, %dma_start3A_36] : memref<16384x128xf32, #tpu.memory_space<hbm>> -> memref<128x128xf32, #tpu.memory_space<hbm>>
    tpu.enqueue_dma source(%arg11 : memref<128x128xf32, #tpu.memory_space<vmem>>) target(%dma_start3A_37 : memref<128x128xf32, #tpu.memory_space<hbm>>) target_semaphore(%arg20 : memref<!tpu.dma_semaphore, #tpu.memory_space<semaphore_mem>>)
    %dma_wait3A_38 = arith.constant 128 : i32
    %dma_wait3A_39 = tpu.memref_slice %arg9[%dma_wait3A_38] : memref<528xi32, #tpu.memory_space<vmem>> -> memref<128xi32, #tpu.memory_space<vmem>>
    %dma_wait3A_40 = arith.constant 0 : i32
    %dma_wait3A_41 = arith.constant 0 : i32
    %dma_wait3A_42 = tpu.memref_slice %arg4[%dma_wait3A_40, %dma_wait3A_41] : memref<100000x128xf32, #tpu.memory_space<hbm>> -> memref<100000x128xf32, #tpu.memory_space<hbm>>
    tpu.wait_indirect_dma semaphore(%arg17 : memref<!tpu.dma_semaphore, #tpu.memory_space<semaphore_mem>>) src(%dma_wait3A_42 : memref<100000x128xf32, #tpu.memory_space<hbm>>) dst(%arg12 : memref<128x128xf32, #tpu.memory_space<vmem>>)
    %add3A_43 = arith.constant 128 : i32
    %add3A_44 = arith.addi %mul3A_2, %add3A_43 : i32
    %dma_start3A_45 = arith.constant 0 : i32
    %dma_start3A_46 = tpu.memref_slice %arg6[%add3A_44, %dma_start3A_45] : memref<16384x128xf32, #tpu.memory_space<hbm>> -> memref<128x128xf32, #tpu.memory_space<hbm>>
    %dma_start3A_47 = arith.constant 0 : i32
    %dma_start3A_48 = tpu.memref_slice %arg6[%add3A_44, %dma_start3A_47] : memref<16384x128xf32, #tpu.memory_space<hbm>> -> memref<128x128xf32, #tpu.memory_space<hbm>>
    tpu.enqueue_dma source(%arg12 : memref<128x128xf32, #tpu.memory_space<vmem>>) target(%dma_start3A_48 : memref<128x128xf32, #tpu.memory_space<hbm>>) target_semaphore(%arg20 : memref<!tpu.dma_semaphore, #tpu.memory_space<semaphore_mem>>)
    %dma_wait3A_49 = arith.constant 256 : i32
    %dma_wait3A_50 = tpu.memref_slice %arg9[%dma_wait3A_49] : memref<528xi32, #tpu.memory_space<vmem>> -> memref<128xi32, #tpu.memory_space<vmem>>
    %dma_wait3A_51 = arith.constant 0 : i32
    %dma_wait3A_52 = arith.constant 0 : i32
    %dma_wait3A_53 = tpu.memref_slice %arg4[%dma_wait3A_51, %dma_wait3A_52] : memref<100000x128xf32, #tpu.memory_space<hbm>> -> memref<100000x128xf32, #tpu.memory_space<hbm>>
    tpu.wait_indirect_dma semaphore(%arg18 : memref<!tpu.dma_semaphore, #tpu.memory_space<semaphore_mem>>) src(%dma_wait3A_53 : memref<100000x128xf32, #tpu.memory_space<hbm>>) dst(%arg13 : memref<128x128xf32, #tpu.memory_space<vmem>>)
    %add3A_54 = arith.constant 256 : i32
    %add3A_55 = arith.addi %mul3A_2, %add3A_54 : i32
    %dma_start3A_56 = arith.constant 0 : i32
    %dma_start3A_57 = tpu.memref_slice %arg6[%add3A_55, %dma_start3A_56] : memref<16384x128xf32, #tpu.memory_space<hbm>> -> memref<128x128xf32, #tpu.memory_space<hbm>>
    %dma_start3A_58 = arith.constant 0 : i32
    %dma_start3A_59 = tpu.memref_slice %arg6[%add3A_55, %dma_start3A_58] : memref<16384x128xf32, #tpu.memory_space<hbm>> -> memref<128x128xf32, #tpu.memory_space<hbm>>
    tpu.enqueue_dma source(%arg13 : memref<128x128xf32, #tpu.memory_space<vmem>>) target(%dma_start3A_59 : memref<128x128xf32, #tpu.memory_space<hbm>>) target_semaphore(%arg20 : memref<!tpu.dma_semaphore, #tpu.memory_space<semaphore_mem>>)
    %dma_wait3A_60 = arith.constant 384 : i32
    %dma_wait3A_61 = tpu.memref_slice %arg9[%dma_wait3A_60] : memref<528xi32, #tpu.memory_space<vmem>> -> memref<128xi32, #tpu.memory_space<vmem>>
    %dma_wait3A_62 = arith.constant 0 : i32
    %dma_wait3A_63 = arith.constant 0 : i32
    %dma_wait3A_64 = tpu.memref_slice %arg4[%dma_wait3A_62, %dma_wait3A_63] : memref<100000x128xf32, #tpu.memory_space<hbm>> -> memref<100000x128xf32, #tpu.memory_space<hbm>>
    tpu.wait_indirect_dma semaphore(%arg19 : memref<!tpu.dma_semaphore, #tpu.memory_space<semaphore_mem>>) src(%dma_wait3A_64 : memref<100000x128xf32, #tpu.memory_space<hbm>>) dst(%arg14 : memref<128x128xf32, #tpu.memory_space<vmem>>)
    %add3A_65 = arith.constant 384 : i32
    %add3A_66 = arith.addi %mul3A_2, %add3A_65 : i32
    %dma_start3A_67 = arith.constant 0 : i32
    %dma_start3A_68 = tpu.memref_slice %arg6[%add3A_66, %dma_start3A_67] : memref<16384x128xf32, #tpu.memory_space<hbm>> -> memref<128x128xf32, #tpu.memory_space<hbm>>
    %dma_start3A_69 = arith.constant 0 : i32
    %dma_start3A_70 = tpu.memref_slice %arg6[%add3A_66, %dma_start3A_69] : memref<16384x128xf32, #tpu.memory_space<hbm>> -> memref<128x128xf32, #tpu.memory_space<hbm>>
    tpu.enqueue_dma source(%arg14 : memref<128x128xf32, #tpu.memory_space<vmem>>) target(%dma_start3A_70 : memref<128x128xf32, #tpu.memory_space<hbm>>) target_semaphore(%arg20 : memref<!tpu.dma_semaphore, #tpu.memory_space<semaphore_mem>>)
    %dma_wait3A_71 = arith.constant 0 : i32
    %dma_wait3A_72 = tpu.memref_slice %arg10[%dma_wait3A_71] : memref<528xi32, #tpu.memory_space<vmem>> -> memref<512xi32, #tpu.memory_space<vmem>>
    %dma_wait3A_73 = arith.constant 0 : i32
    %dma_wait3A_74 = tpu.memref_slice %arg9[%dma_wait3A_73] : memref<528xi32, #tpu.memory_space<vmem>> -> memref<512xi32, #tpu.memory_space<vmem>>
    %dma_wait3A_75 = arith.constant 0 : i32
    %dma_wait3A_76 = tpu.memref_slice %arg3[%dma_wait3A_75] : memref<100000xi32, #tpu.memory_space<hbm>> -> memref<100000xi32, #tpu.memory_space<hbm>>
    tpu.wait_indirect_dma semaphore(%arg21 : memref<!tpu.dma_semaphore, #tpu.memory_space<semaphore_mem>>) src(%dma_wait3A_76 : memref<100000xi32, #tpu.memory_space<hbm>>) dst(%dma_wait3A_72 : memref<512xi32, #tpu.memory_space<vmem>>)
    "tpu.region"() ({
      %run_scoped3A = tpu.sem_alloc : memref<!tpu.dma_semaphore, #tpu.memory_space<semaphore_mem>>
      %dma_start3A_149 = arith.constant 0 : i32
      %dma_start3A_150 = tpu.memref_slice %arg10[%dma_start3A_149] : memref<528xi32, #tpu.memory_space<vmem>> -> memref<512xi32, #tpu.memory_space<vmem>>
      %dma_start3A_151 = tpu.memref_slice %arg7[%mul3A_2] : memref<16384xi32, #tpu.memory_space<hbm>> -> memref<512xi32, #tpu.memory_space<hbm>>
      %dma_start3A_152 = tpu.memref_slice %arg7[%mul3A_2] : memref<16384xi32, #tpu.memory_space<hbm>> -> memref<512xi32, #tpu.memory_space<hbm>>
      %dma_start3A_153 = arith.constant 0 : i32
      %dma_start3A_154 = tpu.memref_slice %arg10[%dma_start3A_153] : memref<528xi32, #tpu.memory_space<vmem>> -> memref<512xi32, #tpu.memory_space<vmem>>
      tpu.enqueue_dma source(%dma_start3A_154 : memref<512xi32, #tpu.memory_space<vmem>>) target(%dma_start3A_152 : memref<512xi32, #tpu.memory_space<hbm>>) target_semaphore(%run_scoped3A : memref<!tpu.dma_semaphore, #tpu.memory_space<semaphore_mem>>)
      %dma_wait3A_155 = arith.constant 0 : i32
      %dma_wait3A_156 = tpu.memref_slice %arg10[%dma_wait3A_155] : memref<528xi32, #tpu.memory_space<vmem>> -> memref<512xi32, #tpu.memory_space<vmem>>
      %dma_wait3A_157 = tpu.memref_slice %arg7[%mul3A_2] : memref<16384xi32, #tpu.memory_space<hbm>> -> memref<512xi32, #tpu.memory_space<hbm>>
      %dma_wait3A_158 = tpu.memref_slice %arg7[%mul3A_2] : memref<16384xi32, #tpu.memory_space<hbm>> -> memref<512xi32, #tpu.memory_space<hbm>>
      %dma_wait3A_159 = arith.constant 0 : i32
      %dma_wait3A_160 = tpu.memref_slice %arg10[%dma_wait3A_159] : memref<528xi32, #tpu.memory_space<vmem>> -> memref<512xi32, #tpu.memory_space<vmem>>
      tpu.wait_dma2 semaphore(%run_scoped3A : memref<!tpu.dma_semaphore, #tpu.memory_space<semaphore_mem>>) src(%dma_wait3A_160 : memref<512xi32, #tpu.memory_space<vmem>>) dst(%dma_wait3A_158 : memref<512xi32, #tpu.memory_space<hbm>>)
      tpu.yield
    }) : () -> ()
    %broadcast_in_dim3A = arith.constant 0 : i32
    %broadcast_in_dim3A_77 = vector.broadcast %broadcast_in_dim3A : i32 to vector<16xi32>
    %scan3A = arith.constant 0 : i32
    %scan3A_78 = arith.constant 32 : i32
    %scan3A_79 = arith.addi %scan3A, %scan3A_78 : i32
    %scan3A_80 = arith.constant 1 : i32
    %scan3A_81 = scf.for %scan3A_149 = %scan3A to %scan3A_79 step %scan3A_80 iter_args(%scan3A_150 = %broadcast_in_dim3A_77) -> (vector<16xi32>)  : i32 {
      %mul3A_151 = arith.constant 16 : i32
      %mul3A_152 = arith.muli %scan3A_149, %mul3A_151 : i32
      %get3A = arith.index_cast %mul3A_152 : i32 to index
      %get3A_153 = tpu.vector_load %arg10[%get3A] {strides = array<i32>} : memref<528xi32, #tpu.memory_space<vmem>>, vector<16xi32>,
      %get3A_154 = vector.shape_cast %get3A_153 : vector<16xi32> to vector<16xi32>
      %broadcast_in_dim3A_155 = arith.constant -1 : i32
      %broadcast_in_dim3A_156 = vector.broadcast %broadcast_in_dim3A_155 : i32 to vector<16xi32>
      %xor3A = arith.xori %get3A_154, %broadcast_in_dim3A_156 : vector<16xi32>
      %or3A_157 = arith.ori %scan3A_150, %xor3A : vector<16xi32>
      scf.yield %or3A_157 : vector<16xi32>
    }
    %scan3A_82 = arith.constant 32 : i32
    %slice3A = vector.extract_strided_slice %scan3A_81 {offsets = [0], sizes = [1], strides = [1]} : vector<16xi32> to vector<1xi32>
    %squeeze3A = vector.extract %slice3A[0] : i32 from vector<1xi32>
    %slice3A_83 = vector.extract_strided_slice %scan3A_81 {offsets = [1], sizes = [1], strides = [1]} : vector<16xi32> to vector<1xi32>
    %squeeze3A_84 = vector.extract %slice3A_83[0] : i32 from vector<1xi32>
    %or3A = arith.ori %squeeze3A, %squeeze3A_84 : i32
    %slice3A_85 = vector.extract_strided_slice %scan3A_81 {offsets = [2], sizes = [1], strides = [1]} : vector<16xi32> to vector<1xi32>
    %squeeze3A_86 = vector.extract %slice3A_85[0] : i32 from vector<1xi32>
    %or3A_87 = arith.ori %or3A, %squeeze3A_86 : i32
    %slice3A_88 = vector.extract_strided_slice %scan3A_81 {offsets = [3], sizes = [1], strides = [1]} : vector<16xi32> to vector<1xi32>
    %squeeze3A_89 = vector.extract %slice3A_88[0] : i32 from vector<1xi32>
    %or3A_90 = arith.ori %or3A_87, %squeeze3A_89 : i32
    %slice3A_91 = vector.extract_strided_slice %scan3A_81 {offsets = [4], sizes = [1], strides = [1]} : vector<16xi32> to vector<1xi32>
    %squeeze3A_92 = vector.extract %slice3A_91[0] : i32 from vector<1xi32>
    %or3A_93 = arith.ori %or3A_90, %squeeze3A_92 : i32
    %slice3A_94 = vector.extract_strided_slice %scan3A_81 {offsets = [5], sizes = [1], strides = [1]} : vector<16xi32> to vector<1xi32>
    %squeeze3A_95 = vector.extract %slice3A_94[0] : i32 from vector<1xi32>
    %or3A_96 = arith.ori %or3A_93, %squeeze3A_95 : i32
    %slice3A_97 = vector.extract_strided_slice %scan3A_81 {offsets = [6], sizes = [1], strides = [1]} : vector<16xi32> to vector<1xi32>
    %squeeze3A_98 = vector.extract %slice3A_97[0] : i32 from vector<1xi32>
    %or3A_99 = arith.ori %or3A_96, %squeeze3A_98 : i32
    %slice3A_100 = vector.extract_strided_slice %scan3A_81 {offsets = [7], sizes = [1], strides = [1]} : vector<16xi32> to vector<1xi32>
    %squeeze3A_101 = vector.extract %slice3A_100[0] : i32 from vector<1xi32>
    %or3A_102 = arith.ori %or3A_99, %squeeze3A_101 : i32
    %slice3A_103 = vector.extract_strided_slice %scan3A_81 {offsets = [8], sizes = [1], strides = [1]} : vector<16xi32> to vector<1xi32>
    %squeeze3A_104 = vector.extract %slice3A_103[0] : i32 from vector<1xi32>
    %or3A_105 = arith.ori %or3A_102, %squeeze3A_104 : i32
    %slice3A_106 = vector.extract_strided_slice %scan3A_81 {offsets = [9], sizes = [1], strides = [1]} : vector<16xi32> to vector<1xi32>
    %squeeze3A_107 = vector.extract %slice3A_106[0] : i32 from vector<1xi32>
    %or3A_108 = arith.ori %or3A_105, %squeeze3A_107 : i32
    %slice3A_109 = vector.extract_strided_slice %scan3A_81 {offsets = [10], sizes = [1], strides = [1]} : vector<16xi32> to vector<1xi32>
    %squeeze3A_110 = vector.extract %slice3A_109[0] : i32 from vector<1xi32>
    %or3A_111 = arith.ori %or3A_108, %squeeze3A_110 : i32
    %slice3A_112 = vector.extract_strided_slice %scan3A_81 {offsets = [11], sizes = [1], strides = [1]} : vector<16xi32> to vector<1xi32>
    %squeeze3A_113 = vector.extract %slice3A_112[0] : i32 from vector<1xi32>
    %or3A_114 = arith.ori %or3A_111, %squeeze3A_113 : i32
    %slice3A_115 = vector.extract_strided_slice %scan3A_81 {offsets = [12], sizes = [1], strides = [1]} : vector<16xi32> to vector<1xi32>
    %squeeze3A_116 = vector.extract %slice3A_115[0] : i32 from vector<1xi32>
    %or3A_117 = arith.ori %or3A_114, %squeeze3A_116 : i32
    %slice3A_118 = vector.extract_strided_slice %scan3A_81 {offsets = [13], sizes = [1], strides = [1]} : vector<16xi32> to vector<1xi32>
    %squeeze3A_119 = vector.extract %slice3A_118[0] : i32 from vector<1xi32>
    %or3A_120 = arith.ori %or3A_117, %squeeze3A_119 : i32
    %slice3A_121 = vector.extract_strided_slice %scan3A_81 {offsets = [14], sizes = [1], strides = [1]} : vector<16xi32> to vector<1xi32>
    %squeeze3A_122 = vector.extract %slice3A_121[0] : i32 from vector<1xi32>
    %or3A_123 = arith.ori %or3A_120, %squeeze3A_122 : i32
    %slice3A_124 = vector.extract_strided_slice %scan3A_81 {offsets = [15], sizes = [1], strides = [1]} : vector<16xi32> to vector<1xi32>
    %squeeze3A_125 = vector.extract %slice3A_124[0] : i32 from vector<1xi32>
    %or3A_126 = arith.ori %or3A_123, %squeeze3A_125 : i32
    %dma_wait3A_127 = arith.constant 0 : i32
    %dma_wait3A_128 = tpu.memref_slice %arg6[%add3A_33, %dma_wait3A_127] : memref<16384x128xf32, #tpu.memory_space<hbm>> -> memref<128x128xf32, #tpu.memory_space<hbm>>
    %dma_wait3A_129 = arith.constant 0 : i32
    %dma_wait3A_130 = tpu.memref_slice %arg6[%add3A_33, %dma_wait3A_129] : memref<16384x128xf32, #tpu.memory_space<hbm>> -> memref<128x128xf32, #tpu.memory_space<hbm>>
    tpu.wait_dma2 semaphore(%arg20 : memref<!tpu.dma_semaphore, #tpu.memory_space<semaphore_mem>>) src(%arg11 : memref<128x128xf32, #tpu.memory_space<vmem>>) dst(%dma_wait3A_130 : memref<128x128xf32, #tpu.memory_space<hbm>>)
    %dma_wait3A_131 = arith.constant 0 : i32
    %dma_wait3A_132 = tpu.memref_slice %arg6[%add3A_44, %dma_wait3A_131] : memref<16384x128xf32, #tpu.memory_space<hbm>> -> memref<128x128xf32, #tpu.memory_space<hbm>>
    %dma_wait3A_133 = arith.constant 0 : i32
    %dma_wait3A_134 = tpu.memref_slice %arg6[%add3A_44, %dma_wait3A_133] : memref<16384x128xf32, #tpu.memory_space<hbm>> -> memref<128x128xf32, #tpu.memory_space<hbm>>
    tpu.wait_dma2 semaphore(%arg20 : memref<!tpu.dma_semaphore, #tpu.memory_space<semaphore_mem>>) src(%arg12 : memref<128x128xf32, #tpu.memory_space<vmem>>) dst(%dma_wait3A_134 : memref<128x128xf32, #tpu.memory_space<hbm>>)
    %dma_wait3A_135 = arith.constant 0 : i32
    %dma_wait3A_136 = tpu.memref_slice %arg6[%add3A_55, %dma_wait3A_135] : memref<16384x128xf32, #tpu.memory_space<hbm>> -> memref<128x128xf32, #tpu.memory_space<hbm>>
    %dma_wait3A_137 = arith.constant 0 : i32
    %dma_wait3A_138 = tpu.memref_slice %arg6[%add3A_55, %dma_wait3A_137] : memref<16384x128xf32, #tpu.memory_space<hbm>> -> memref<128x128xf32, #tpu.memory_space<hbm>>
    tpu.wait_dma2 semaphore(%arg20 : memref<!tpu.dma_semaphore, #tpu.memory_space<semaphore_mem>>) src(%arg13 : memref<128x128xf32, #tpu.memory_space<vmem>>) dst(%dma_wait3A_138 : memref<128x128xf32, #tpu.memory_space<hbm>>)
    %dma_wait3A_139 = arith.constant 0 : i32
    %dma_wait3A_140 = tpu.memref_slice %arg6[%add3A_66, %dma_wait3A_139] : memref<16384x128xf32, #tpu.memory_space<hbm>> -> memref<128x128xf32, #tpu.memory_space<hbm>>
    %dma_wait3A_141 = arith.constant 0 : i32
    %dma_wait3A_142 = tpu.memref_slice %arg6[%add3A_66, %dma_wait3A_141] : memref<16384x128xf32, #tpu.memory_space<hbm>> -> memref<128x128xf32, #tpu.memory_space<hbm>>
    tpu.wait_dma2 semaphore(%arg20 : memref<!tpu.dma_semaphore, #tpu.memory_space<semaphore_mem>>) src(%arg14 : memref<128x128xf32, #tpu.memory_space<vmem>>) dst(%dma_wait3A_142 : memref<128x128xf32, #tpu.memory_space<hbm>>)
    %ne3A = arith.constant 0 : i32
    %ne3A_143 = arith.cmpi ne, %or3A_126, %ne3A : i32
    %convert_element_type3A = arith.extui %ne3A_143 : i1 to i32
    %cond3A = arith.constant 0 : i32
    %cond3A_144 = arith.cmpi ne, %convert_element_type3A, %cond3A : i32
    scf.if %cond3A_144 {
      %scan3A_149 = arith.constant 0 : i32
      %scan3A_150 = arith.constant 0 : i32
      %scan3A_151 = arith.constant 128 : i32
      %scan3A_152 = arith.addi %scan3A_150, %scan3A_151 : i32
      %scan3A_153 = arith.constant 1 : i32
      scf.for %scan3A_181 = %scan3A_150 to %scan3A_152 step %scan3A_153  : i32 {
        %add3A_182 = arith.constant 0 : i32
        %add3A_183 = arith.addi %add3A_182, %scan3A_181 : i32
        %get3A = arith.index_cast %add3A_183 : i32 to index
        %get3A_184 = tpu.vector_load %arg10[%get3A] {strides = array<i32>} : memref<528xi32, #tpu.memory_space<vmem>>, vector<16xi32>,
        %get3A_185 = vector.shape_cast %get3A_184 : vector<16xi32> to vector<16xi32>
        %slice3A_186 = vector.extract_strided_slice %get3A_185 {offsets = [0], sizes = [1], strides = [1]} : vector<16xi32> to vector<1xi32>
        %squeeze3A_187 = vector.extract %slice3A_186[0] : i32 from vector<1xi32>
        %get3A_188 = arith.index_cast %add3A_183 : i32 to index
        %get3A_189 = tpu.vector_load %arg9[%get3A_188] {strides = array<i32>} : memref<528xi32, #tpu.memory_space<vmem>>, vector<16xi32>,
        %get3A_190 = vector.shape_cast %get3A_189 : vector<16xi32> to vector<16xi32>
        %slice3A_191 = vector.extract_strided_slice %get3A_190 {offsets = [0], sizes = [1], strides = [1]} : vector<16xi32> to vector<1xi32>
        %squeeze3A_192 = vector.extract %slice3A_191[0] : i32 from vector<1xi32>
        %ne3A_193 = arith.constant -1 : i32
        %ne3A_194 = arith.cmpi ne, %squeeze3A_187, %ne3A_193 : i32
        %convert_element_type3A_195 = arith.extui %ne3A_194 : i1 to i32
        %cond3A_196 = arith.constant 0 : i32
        %cond3A_197 = arith.cmpi ne, %convert_element_type3A_195, %cond3A_196 : i32
        scf.if %cond3A_197 {
          "tpu.region"() ({
            %run_scoped3A = tpu.sem_alloc : memref<!tpu.dma_semaphore, #tpu.memory_space<semaphore_mem>>
            %dma_start3A_198 = arith.constant 0 : i32
            %dma_start3A_199 = tpu.memref_slice %arg11[%scan3A_181, %dma_start3A_198] : memref<128x128xf32, #tpu.memory_space<vmem>> -> memref<1x128xf32, #tpu.memory_space<vmem>>
            %dma_start3A_200 = tpu.memref_squeeze %dma_start3A_199 : memref<1x128xf32, #tpu.memory_space<vmem>> -> memref<128xf32, #tpu.memory_space<vmem>>
            %dma_start3A_201 = arith.constant 0 : i32
            %dma_start3A_202 = tpu.memref_slice %arg5[%squeeze3A_192, %dma_start3A_201] : memref<100000x128xf32, #tpu.memory_space<hbm>> -> memref<1x128xf32, #tpu.memory_space<hbm>>
            %dma_start3A_203 = tpu.memref_squeeze %dma_start3A_202 : memref<1x128xf32, #tpu.memory_space<hbm>> -> memref<128xf32, #tpu.memory_space<hbm>>
            %dma_start3A_204 = arith.constant 0 : i32
            %dma_start3A_205 = tpu.memref_slice %arg11[%scan3A_181, %dma_start3A_204] : memref<128x128xf32, #tpu.memory_space<vmem>> -> memref<1x128xf32, #tpu.memory_space<vmem>>
            %dma_start3A_206 = tpu.memref_squeeze %dma_start3A_205 : memref<1x128xf32, #tpu.memory_space<vmem>> -> memref<128xf32, #tpu.memory_space<vmem>>
            %dma_start3A_207 = arith.constant 0 : i32
            %dma_start3A_208 = tpu.memref_slice %arg5[%squeeze3A_192, %dma_start3A_207] : memref<100000x128xf32, #tpu.memory_space<hbm>> -> memref<1x128xf32, #tpu.memory_space<hbm>>
            %dma_start3A_209 = tpu.memref_squeeze %dma_start3A_208 : memref<1x128xf32, #tpu.memory_space<hbm>> -> memref<128xf32, #tpu.memory_space<hbm>>
            tpu.enqueue_dma source(%dma_start3A_209 : memref<128xf32, #tpu.memory_space<hbm>>) target(%dma_start3A_206 : memref<128xf32, #tpu.memory_space<vmem>>) target_semaphore(%run_scoped3A : memref<!tpu.dma_semaphore, #tpu.memory_space<semaphore_mem>>)
            %dma_wait3A_210 = arith.constant 0 : i32
            %dma_wait3A_211 = tpu.memref_slice %arg11[%scan3A_181, %dma_wait3A_210] : memref<128x128xf32, #tpu.memory_space<vmem>> -> memref<1x128xf32, #tpu.memory_space<vmem>>
            %dma_wait3A_212 = tpu.memref_squeeze %dma_wait3A_211 : memref<1x128xf32, #tpu.memory_space<vmem>> -> memref<128xf32, #tpu.memory_space<vmem>>
            %dma_wait3A_213 = arith.constant 0 : i32
            %dma_wait3A_214 = tpu.memref_slice %arg5[%squeeze3A_192, %dma_wait3A_213] : memref<100000x128xf32, #tpu.memory_space<hbm>> -> memref<1x128xf32, #tpu.memory_space<hbm>>
            %dma_wait3A_215 = tpu.memref_squeeze %dma_wait3A_214 : memref<1x128xf32, #tpu.memory_space<hbm>> -> memref<128xf32, #tpu.memory_space<hbm>>
            %dma_wait3A_216 = arith.constant 0 : i32
            %dma_wait3A_217 = tpu.memref_slice %arg11[%scan3A_181, %dma_wait3A_216] : memref<128x128xf32, #tpu.memory_space<vmem>> -> memref<1x128xf32, #tpu.memory_space<vmem>>
            %dma_wait3A_218 = tpu.memref_squeeze %dma_wait3A_217 : memref<1x128xf32, #tpu.memory_space<vmem>> -> memref<128xf32, #tpu.memory_space<vmem>>
            %dma_wait3A_219 = arith.constant 0 : i32
            %dma_wait3A_220 = tpu.memref_slice %arg5[%squeeze3A_192, %dma_wait3A_219] : memref<100000x128xf32, #tpu.memory_space<hbm>> -> memref<1x128xf32, #tpu.memory_space<hbm>>
            %dma_wait3A_221 = tpu.memref_squeeze %dma_wait3A_220 : memref<1x128xf32, #tpu.memory_space<hbm>> -> memref<128xf32, #tpu.memory_space<hbm>>
            tpu.wait_dma2 semaphore(%run_scoped3A : memref<!tpu.dma_semaphore, #tpu.memory_space<semaphore_mem>>) src(%dma_wait3A_221 : memref<128xf32, #tpu.memory_space<hbm>>) dst(%dma_wait3A_218 : memref<128xf32, #tpu.memory_space<vmem>>)
            tpu.yield
          }) : () -> ()
        } else {
        }
      }
      %scan3A_154 = arith.constant 128 : i32
      %add3A_155 = arith.constant 0 : i32
      %add3A_156 = arith.addi %mul3A_2, %add3A_155 : i32
      "tpu.region"() ({
        %run_scoped3A = tpu.sem_alloc : memref<!tpu.dma_semaphore, #tpu.memory_space<semaphore_mem>>
        %dma_start3A_181 = arith.constant 0 : i32
        %dma_start3A_182 = tpu.memref_slice %arg6[%add3A_156, %dma_start3A_181] : memref<16384x128xf32, #tpu.memory_space<hbm>> -> memref<128x128xf32, #tpu.memory_space<hbm>>
        %dma_start3A_183 = arith.constant 0 : i32
        %dma_start3A_184 = tpu.memref_slice %arg6[%add3A_156, %dma_start3A_183] : memref<16384x128xf32, #tpu.memory_space<hbm>> -> memref<128x128xf32, #tpu.memory_space<hbm>>
        tpu.enqueue_dma source(%arg11 : memref<128x128xf32, #tpu.memory_space<vmem>>) target(%dma_start3A_184 : memref<128x128xf32, #tpu.memory_space<hbm>>) target_semaphore(%run_scoped3A : memref<!tpu.dma_semaphore, #tpu.memory_space<semaphore_mem>>)
        %dma_wait3A_185 = arith.constant 0 : i32
        %dma_wait3A_186 = tpu.memref_slice %arg6[%add3A_156, %dma_wait3A_185] : memref<16384x128xf32, #tpu.memory_space<hbm>> -> memref<128x128xf32, #tpu.memory_space<hbm>>
        %dma_wait3A_187 = arith.constant 0 : i32
        %dma_wait3A_188 = tpu.memref_slice %arg6[%add3A_156, %dma_wait3A_187] : memref<16384x128xf32, #tpu.memory_space<hbm>> -> memref<128x128xf32, #tpu.memory_space<hbm>>
        tpu.wait_dma2 semaphore(%run_scoped3A : memref<!tpu.dma_semaphore, #tpu.memory_space<semaphore_mem>>) src(%arg11 : memref<128x128xf32, #tpu.memory_space<vmem>>) dst(%dma_wait3A_188 : memref<128x128xf32, #tpu.memory_space<hbm>>)
        tpu.yield
      }) : () -> ()
      %scan3A_157 = arith.constant 0 : i32
      %scan3A_158 = arith.constant 0 : i32
      %scan3A_159 = arith.constant 128 : i32
      %scan3A_160 = arith.addi %scan3A_158, %scan3A_159 : i32
      %scan3A_161 = arith.constant 1 : i32
      scf.for %scan3A_181 = %scan3A_158 to %scan3A_160 step %scan3A_161  : i32 {
        %add3A_182 = arith.constant 128 : i32
        %add3A_183 = arith.addi %add3A_182, %scan3A_181 : i32
        %get3A = arith.index_cast %add3A_183 : i32 to index
        %get3A_184 = tpu.vector_load %arg10[%get3A] {strides = array<i32>} : memref<528xi32, #tpu.memory_space<vmem>>, vector<16xi32>,
        %get3A_185 = vector.shape_cast %get3A_184 : vector<16xi32> to vector<16xi32>
        %slice3A_186 = vector.extract_strided_slice %get3A_185 {offsets = [0], sizes = [1], strides = [1]} : vector<16xi32> to vector<1xi32>
        %squeeze3A_187 = vector.extract %slice3A_186[0] : i32 from vector<1xi32>
        %get3A_188 = arith.index_cast %add3A_183 : i32 to index
        %get3A_189 = tpu.vector_load %arg9[%get3A_188] {strides = array<i32>} : memref<528xi32, #tpu.memory_space<vmem>>, vector<16xi32>,
        %get3A_190 = vector.shape_cast %get3A_189 : vector<16xi32> to vector<16xi32>
        %slice3A_191 = vector.extract_strided_slice %get3A_190 {offsets = [0], sizes = [1], strides = [1]} : vector<16xi32> to vector<1xi32>
        %squeeze3A_192 = vector.extract %slice3A_191[0] : i32 from vector<1xi32>
        %ne3A_193 = arith.constant -1 : i32
        %ne3A_194 = arith.cmpi ne, %squeeze3A_187, %ne3A_193 : i32
        %convert_element_type3A_195 = arith.extui %ne3A_194 : i1 to i32
        %cond3A_196 = arith.constant 0 : i32
        %cond3A_197 = arith.cmpi ne, %convert_element_type3A_195, %cond3A_196 : i32
        scf.if %cond3A_197 {
          "tpu.region"() ({
            %run_scoped3A = tpu.sem_alloc : memref<!tpu.dma_semaphore, #tpu.memory_space<semaphore_mem>>
            %dma_start3A_198 = arith.constant 0 : i32
            %dma_start3A_199 = tpu.memref_slice %arg12[%scan3A_181, %dma_start3A_198] : memref<128x128xf32, #tpu.memory_space<vmem>> -> memref<1x128xf32, #tpu.memory_space<vmem>>
            %dma_start3A_200 = tpu.memref_squeeze %dma_start3A_199 : memref<1x128xf32, #tpu.memory_space<vmem>> -> memref<128xf32, #tpu.memory_space<vmem>>
            %dma_start3A_201 = arith.constant 0 : i32
            %dma_start3A_202 = tpu.memref_slice %arg5[%squeeze3A_192, %dma_start3A_201] : memref<100000x128xf32, #tpu.memory_space<hbm>> -> memref<1x128xf32, #tpu.memory_space<hbm>>
            %dma_start3A_203 = tpu.memref_squeeze %dma_start3A_202 : memref<1x128xf32, #tpu.memory_space<hbm>> -> memref<128xf32, #tpu.memory_space<hbm>>
            %dma_start3A_204 = arith.constant 0 : i32
            %dma_start3A_205 = tpu.memref_slice %arg12[%scan3A_181, %dma_start3A_204] : memref<128x128xf32, #tpu.memory_space<vmem>> -> memref<1x128xf32, #tpu.memory_space<vmem>>
            %dma_start3A_206 = tpu.memref_squeeze %dma_start3A_205 : memref<1x128xf32, #tpu.memory_space<vmem>> -> memref<128xf32, #tpu.memory_space<vmem>>
            %dma_start3A_207 = arith.constant 0 : i32
            %dma_start3A_208 = tpu.memref_slice %arg5[%squeeze3A_192, %dma_start3A_207] : memref<100000x128xf32, #tpu.memory_space<hbm>> -> memref<1x128xf32, #tpu.memory_space<hbm>>
            %dma_start3A_209 = tpu.memref_squeeze %dma_start3A_208 : memref<1x128xf32, #tpu.memory_space<hbm>> -> memref<128xf32, #tpu.memory_space<hbm>>
            tpu.enqueue_dma source(%dma_start3A_209 : memref<128xf32, #tpu.memory_space<hbm>>) target(%dma_start3A_206 : memref<128xf32, #tpu.memory_space<vmem>>) target_semaphore(%run_scoped3A : memref<!tpu.dma_semaphore, #tpu.memory_space<semaphore_mem>>)
            %dma_wait3A_210 = arith.constant 0 : i32
            %dma_wait3A_211 = tpu.memref_slice %arg12[%scan3A_181, %dma_wait3A_210] : memref<128x128xf32, #tpu.memory_space<vmem>> -> memref<1x128xf32, #tpu.memory_space<vmem>>
            %dma_wait3A_212 = tpu.memref_squeeze %dma_wait3A_211 : memref<1x128xf32, #tpu.memory_space<vmem>> -> memref<128xf32, #tpu.memory_space<vmem>>
            %dma_wait3A_213 = arith.constant 0 : i32
            %dma_wait3A_214 = tpu.memref_slice %arg5[%squeeze3A_192, %dma_wait3A_213] : memref<100000x128xf32, #tpu.memory_space<hbm>> -> memref<1x128xf32, #tpu.memory_space<hbm>>
            %dma_wait3A_215 = tpu.memref_squeeze %dma_wait3A_214 : memref<1x128xf32, #tpu.memory_space<hbm>> -> memref<128xf32, #tpu.memory_space<hbm>>
            %dma_wait3A_216 = arith.constant 0 : i32
            %dma_wait3A_217 = tpu.memref_slice %arg12[%scan3A_181, %dma_wait3A_216] : memref<128x128xf32, #tpu.memory_space<vmem>> -> memref<1x128xf32, #tpu.memory_space<vmem>>
            %dma_wait3A_218 = tpu.memref_squeeze %dma_wait3A_217 : memref<1x128xf32, #tpu.memory_space<vmem>> -> memref<128xf32, #tpu.memory_space<vmem>>
            %dma_wait3A_219 = arith.constant 0 : i32
            %dma_wait3A_220 = tpu.memref_slice %arg5[%squeeze3A_192, %dma_wait3A_219] : memref<100000x128xf32, #tpu.memory_space<hbm>> -> memref<1x128xf32, #tpu.memory_space<hbm>>
            %dma_wait3A_221 = tpu.memref_squeeze %dma_wait3A_220 : memref<1x128xf32, #tpu.memory_space<hbm>> -> memref<128xf32, #tpu.memory_space<hbm>>
            tpu.wait_dma2 semaphore(%run_scoped3A : memref<!tpu.dma_semaphore, #tpu.memory_space<semaphore_mem>>) src(%dma_wait3A_221 : memref<128xf32, #tpu.memory_space<hbm>>) dst(%dma_wait3A_218 : memref<128xf32, #tpu.memory_space<vmem>>)
            tpu.yield
          }) : () -> ()
        } else {
        }
      }
      %scan3A_162 = arith.constant 128 : i32
      %add3A_163 = arith.constant 128 : i32
      %add3A_164 = arith.addi %mul3A_2, %add3A_163 : i32
      "tpu.region"() ({
        %run_scoped3A = tpu.sem_alloc : memref<!tpu.dma_semaphore, #tpu.memory_space<semaphore_mem>>
        %dma_start3A_181 = arith.constant 0 : i32
        %dma_start3A_182 = tpu.memref_slice %arg6[%add3A_164, %dma_start3A_181] : memref<16384x128xf32, #tpu.memory_space<hbm>> -> memref<128x128xf32, #tpu.memory_space<hbm>>
        %dma_start3A_183 = arith.constant 0 : i32
        %dma_start3A_184 = tpu.memref_slice %arg6[%add3A_164, %dma_start3A_183] : memref<16384x128xf32, #tpu.memory_space<hbm>> -> memref<128x128xf32, #tpu.memory_space<hbm>>
        tpu.enqueue_dma source(%arg12 : memref<128x128xf32, #tpu.memory_space<vmem>>) target(%dma_start3A_184 : memref<128x128xf32, #tpu.memory_space<hbm>>) target_semaphore(%run_scoped3A : memref<!tpu.dma_semaphore, #tpu.memory_space<semaphore_mem>>)
        %dma_wait3A_185 = arith.constant 0 : i32
        %dma_wait3A_186 = tpu.memref_slice %arg6[%add3A_164, %dma_wait3A_185] : memref<16384x128xf32, #tpu.memory_space<hbm>> -> memref<128x128xf32, #tpu.memory_space<hbm>>
        %dma_wait3A_187 = arith.constant 0 : i32
        %dma_wait3A_188 = tpu.memref_slice %arg6[%add3A_164, %dma_wait3A_187] : memref<16384x128xf32, #tpu.memory_space<hbm>> -> memref<128x128xf32, #tpu.memory_space<hbm>>
        tpu.wait_dma2 semaphore(%run_scoped3A : memref<!tpu.dma_semaphore, #tpu.memory_space<semaphore_mem>>) src(%arg12 : memref<128x128xf32, #tpu.memory_space<vmem>>) dst(%dma_wait3A_188 : memref<128x128xf32, #tpu.memory_space<hbm>>)
        tpu.yield
      }) : () -> ()
      %scan3A_165 = arith.constant 0 : i32
      %scan3A_166 = arith.constant 0 : i32
      %scan3A_167 = arith.constant 128 : i32
      %scan3A_168 = arith.addi %scan3A_166, %scan3A_167 : i32
      %scan3A_169 = arith.constant 1 : i32
      scf.for %scan3A_181 = %scan3A_166 to %scan3A_168 step %scan3A_169  : i32 {
        %add3A_182 = arith.constant 256 : i32
        %add3A_183 = arith.addi %add3A_182, %scan3A_181 : i32
        %get3A = arith.index_cast %add3A_183 : i32 to index
        %get3A_184 = tpu.vector_load %arg10[%get3A] {strides = array<i32>} : memref<528xi32, #tpu.memory_space<vmem>>, vector<16xi32>,
        %get3A_185 = vector.shape_cast %get3A_184 : vector<16xi32> to vector<16xi32>
        %slice3A_186 = vector.extract_strided_slice %get3A_185 {offsets = [0], sizes = [1], strides = [1]} : vector<16xi32> to vector<1xi32>
        %squeeze3A_187 = vector.extract %slice3A_186[0] : i32 from vector<1xi32>
        %get3A_188 = arith.index_cast %add3A_183 : i32 to index
        %get3A_189 = tpu.vector_load %arg9[%get3A_188] {strides = array<i32>} : memref<528xi32, #tpu.memory_space<vmem>>, vector<16xi32>,
        %get3A_190 = vector.shape_cast %get3A_189 : vector<16xi32> to vector<16xi32>
        %slice3A_191 = vector.extract_strided_slice %get3A_190 {offsets = [0], sizes = [1], strides = [1]} : vector<16xi32> to vector<1xi32>
        %squeeze3A_192 = vector.extract %slice3A_191[0] : i32 from vector<1xi32>
        %ne3A_193 = arith.constant -1 : i32
        %ne3A_194 = arith.cmpi ne, %squeeze3A_187, %ne3A_193 : i32
        %convert_element_type3A_195 = arith.extui %ne3A_194 : i1 to i32
        %cond3A_196 = arith.constant 0 : i32
        %cond3A_197 = arith.cmpi ne, %convert_element_type3A_195, %cond3A_196 : i32
        scf.if %cond3A_197 {
          "tpu.region"() ({
            %run_scoped3A = tpu.sem_alloc : memref<!tpu.dma_semaphore, #tpu.memory_space<semaphore_mem>>
            %dma_start3A_198 = arith.constant 0 : i32
            %dma_start3A_199 = tpu.memref_slice %arg13[%scan3A_181, %dma_start3A_198] : memref<128x128xf32, #tpu.memory_space<vmem>> -> memref<1x128xf32, #tpu.memory_space<vmem>>
            %dma_start3A_200 = tpu.memref_squeeze %dma_start3A_199 : memref<1x128xf32, #tpu.memory_space<vmem>> -> memref<128xf32, #tpu.memory_space<vmem>>
            %dma_start3A_201 = arith.constant 0 : i32
            %dma_start3A_202 = tpu.memref_slice %arg5[%squeeze3A_192, %dma_start3A_201] : memref<100000x128xf32, #tpu.memory_space<hbm>> -> memref<1x128xf32, #tpu.memory_space<hbm>>
            %dma_start3A_203 = tpu.memref_squeeze %dma_start3A_202 : memref<1x128xf32, #tpu.memory_space<hbm>> -> memref<128xf32, #tpu.memory_space<hbm>>
            %dma_start3A_204 = arith.constant 0 : i32
            %dma_start3A_205 = tpu.memref_slice %arg13[%scan3A_181, %dma_start3A_204] : memref<128x128xf32, #tpu.memory_space<vmem>> -> memref<1x128xf32, #tpu.memory_space<vmem>>
            %dma_start3A_206 = tpu.memref_squeeze %dma_start3A_205 : memref<1x128xf32, #tpu.memory_space<vmem>> -> memref<128xf32, #tpu.memory_space<vmem>>
            %dma_start3A_207 = arith.constant 0 : i32
            %dma_start3A_208 = tpu.memref_slice %arg5[%squeeze3A_192, %dma_start3A_207] : memref<100000x128xf32, #tpu.memory_space<hbm>> -> memref<1x128xf32, #tpu.memory_space<hbm>>
            %dma_start3A_209 = tpu.memref_squeeze %dma_start3A_208 : memref<1x128xf32, #tpu.memory_space<hbm>> -> memref<128xf32, #tpu.memory_space<hbm>>
            tpu.enqueue_dma source(%dma_start3A_209 : memref<128xf32, #tpu.memory_space<hbm>>) target(%dma_start3A_206 : memref<128xf32, #tpu.memory_space<vmem>>) target_semaphore(%run_scoped3A : memref<!tpu.dma_semaphore, #tpu.memory_space<semaphore_mem>>)
            %dma_wait3A_210 = arith.constant 0 : i32
            %dma_wait3A_211 = tpu.memref_slice %arg13[%scan3A_181, %dma_wait3A_210] : memref<128x128xf32, #tpu.memory_space<vmem>> -> memref<1x128xf32, #tpu.memory_space<vmem>>
            %dma_wait3A_212 = tpu.memref_squeeze %dma_wait3A_211 : memref<1x128xf32, #tpu.memory_space<vmem>> -> memref<128xf32, #tpu.memory_space<vmem>>
            %dma_wait3A_213 = arith.constant 0 : i32
            %dma_wait3A_214 = tpu.memref_slice %arg5[%squeeze3A_192, %dma_wait3A_213] : memref<100000x128xf32, #tpu.memory_space<hbm>> -> memref<1x128xf32, #tpu.memory_space<hbm>>
            %dma_wait3A_215 = tpu.memref_squeeze %dma_wait3A_214 : memref<1x128xf32, #tpu.memory_space<hbm>> -> memref<128xf32, #tpu.memory_space<hbm>>
            %dma_wait3A_216 = arith.constant 0 : i32
            %dma_wait3A_217 = tpu.memref_slice %arg13[%scan3A_181, %dma_wait3A_216] : memref<128x128xf32, #tpu.memory_space<vmem>> -> memref<1x128xf32, #tpu.memory_space<vmem>>
            %dma_wait3A_218 = tpu.memref_squeeze %dma_wait3A_217 : memref<1x128xf32, #tpu.memory_space<vmem>> -> memref<128xf32, #tpu.memory_space<vmem>>
            %dma_wait3A_219 = arith.constant 0 : i32
            %dma_wait3A_220 = tpu.memref_slice %arg5[%squeeze3A_192, %dma_wait3A_219] : memref<100000x128xf32, #tpu.memory_space<hbm>> -> memref<1x128xf32, #tpu.memory_space<hbm>>
            %dma_wait3A_221 = tpu.memref_squeeze %dma_wait3A_220 : memref<1x128xf32, #tpu.memory_space<hbm>> -> memref<128xf32, #tpu.memory_space<hbm>>
            tpu.wait_dma2 semaphore(%run_scoped3A : memref<!tpu.dma_semaphore, #tpu.memory_space<semaphore_mem>>) src(%dma_wait3A_221 : memref<128xf32, #tpu.memory_space<hbm>>) dst(%dma_wait3A_218 : memref<128xf32, #tpu.memory_space<vmem>>)
            tpu.yield
          }) : () -> ()
        } else {
        }
      }
      %scan3A_170 = arith.constant 128 : i32
      %add3A_171 = arith.constant 256 : i32
      %add3A_172 = arith.addi %mul3A_2, %add3A_171 : i32
      "tpu.region"() ({
        %run_scoped3A = tpu.sem_alloc : memref<!tpu.dma_semaphore, #tpu.memory_space<semaphore_mem>>
        %dma_start3A_181 = arith.constant 0 : i32
        %dma_start3A_182 = tpu.memref_slice %arg6[%add3A_172, %dma_start3A_181] : memref<16384x128xf32, #tpu.memory_space<hbm>> -> memref<128x128xf32, #tpu.memory_space<hbm>>
        %dma_start3A_183 = arith.constant 0 : i32
        %dma_start3A_184 = tpu.memref_slice %arg6[%add3A_172, %dma_start3A_183] : memref<16384x128xf32, #tpu.memory_space<hbm>> -> memref<128x128xf32, #tpu.memory_space<hbm>>
        tpu.enqueue_dma source(%arg13 : memref<128x128xf32, #tpu.memory_space<vmem>>) target(%dma_start3A_184 : memref<128x128xf32, #tpu.memory_space<hbm>>) target_semaphore(%run_scoped3A : memref<!tpu.dma_semaphore, #tpu.memory_space<semaphore_mem>>)
        %dma_wait3A_185 = arith.constant 0 : i32
        %dma_wait3A_186 = tpu.memref_slice %arg6[%add3A_172, %dma_wait3A_185] : memref<16384x128xf32, #tpu.memory_space<hbm>> -> memref<128x128xf32, #tpu.memory_space<hbm>>
        %dma_wait3A_187 = arith.constant 0 : i32
        %dma_wait3A_188 = tpu.memref_slice %arg6[%add3A_172, %dma_wait3A_187] : memref<16384x128xf32, #tpu.memory_space<hbm>> -> memref<128x128xf32, #tpu.memory_space<hbm>>
        tpu.wait_dma2 semaphore(%run_scoped3A : memref<!tpu.dma_semaphore, #tpu.memory_space<semaphore_mem>>) src(%arg13 : memref<128x128xf32, #tpu.memory_space<vmem>>) dst(%dma_wait3A_188 : memref<128x128xf32, #tpu.memory_space<hbm>>)
        tpu.yield
      }) : () -> ()
      %scan3A_173 = arith.constant 0 : i32
      %scan3A_174 = arith.constant 0 : i32
      %scan3A_175 = arith.constant 128 : i32
      %scan3A_176 = arith.addi %scan3A_174, %scan3A_175 : i32
      %scan3A_177 = arith.constant 1 : i32
      scf.for %scan3A_181 = %scan3A_174 to %scan3A_176 step %scan3A_177  : i32 {
        %add3A_182 = arith.constant 384 : i32
        %add3A_183 = arith.addi %add3A_182, %scan3A_181 : i32
        %get3A = arith.index_cast %add3A_183 : i32 to index
        %get3A_184 = tpu.vector_load %arg10[%get3A] {strides = array<i32>} : memref<528xi32, #tpu.memory_space<vmem>>, vector<16xi32>,
        %get3A_185 = vector.shape_cast %get3A_184 : vector<16xi32> to vector<16xi32>
        %slice3A_186 = vector.extract_strided_slice %get3A_185 {offsets = [0], sizes = [1], strides = [1]} : vector<16xi32> to vector<1xi32>
        %squeeze3A_187 = vector.extract %slice3A_186[0] : i32 from vector<1xi32>
        %get3A_188 = arith.index_cast %add3A_183 : i32 to index
        %get3A_189 = tpu.vector_load %arg9[%get3A_188] {strides = array<i32>} : memref<528xi32, #tpu.memory_space<vmem>>, vector<16xi32>,
        %get3A_190 = vector.shape_cast %get3A_189 : vector<16xi32> to vector<16xi32>
        %slice3A_191 = vector.extract_strided_slice %get3A_190 {offsets = [0], sizes = [1], strides = [1]} : vector<16xi32> to vector<1xi32>
        %squeeze3A_192 = vector.extract %slice3A_191[0] : i32 from vector<1xi32>
        %ne3A_193 = arith.constant -1 : i32
        %ne3A_194 = arith.cmpi ne, %squeeze3A_187, %ne3A_193 : i32
        %convert_element_type3A_195 = arith.extui %ne3A_194 : i1 to i32
        %cond3A_196 = arith.constant 0 : i32
        %cond3A_197 = arith.cmpi ne, %convert_element_type3A_195, %cond3A_196 : i32
        scf.if %cond3A_197 {
          "tpu.region"() ({
            %run_scoped3A = tpu.sem_alloc : memref<!tpu.dma_semaphore, #tpu.memory_space<semaphore_mem>>
            %dma_start3A_198 = arith.constant 0 : i32
            %dma_start3A_199 = tpu.memref_slice %arg14[%scan3A_181, %dma_start3A_198] : memref<128x128xf32, #tpu.memory_space<vmem>> -> memref<1x128xf32, #tpu.memory_space<vmem>>
            %dma_start3A_200 = tpu.memref_squeeze %dma_start3A_199 : memref<1x128xf32, #tpu.memory_space<vmem>> -> memref<128xf32, #tpu.memory_space<vmem>>
            %dma_start3A_201 = arith.constant 0 : i32
            %dma_start3A_202 = tpu.memref_slice %arg5[%squeeze3A_192, %dma_start3A_201] : memref<100000x128xf32, #tpu.memory_space<hbm>> -> memref<1x128xf32, #tpu.memory_space<hbm>>
            %dma_start3A_203 = tpu.memref_squeeze %dma_start3A_202 : memref<1x128xf32, #tpu.memory_space<hbm>> -> memref<128xf32, #tpu.memory_space<hbm>>
            %dma_start3A_204 = arith.constant 0 : i32
            %dma_start3A_205 = tpu.memref_slice %arg14[%scan3A_181, %dma_start3A_204] : memref<128x128xf32, #tpu.memory_space<vmem>> -> memref<1x128xf32, #tpu.memory_space<vmem>>
            %dma_start3A_206 = tpu.memref_squeeze %dma_start3A_205 : memref<1x128xf32, #tpu.memory_space<vmem>> -> memref<128xf32, #tpu.memory_space<vmem>>
            %dma_start3A_207 = arith.constant 0 : i32
            %dma_start3A_208 = tpu.memref_slice %arg5[%squeeze3A_192, %dma_start3A_207] : memref<100000x128xf32, #tpu.memory_space<hbm>> -> memref<1x128xf32, #tpu.memory_space<hbm>>
            %dma_start3A_209 = tpu.memref_squeeze %dma_start3A_208 : memref<1x128xf32, #tpu.memory_space<hbm>> -> memref<128xf32, #tpu.memory_space<hbm>>
            tpu.enqueue_dma source(%dma_start3A_209 : memref<128xf32, #tpu.memory_space<hbm>>) target(%dma_start3A_206 : memref<128xf32, #tpu.memory_space<vmem>>) target_semaphore(%run_scoped3A : memref<!tpu.dma_semaphore, #tpu.memory_space<semaphore_mem>>)
            %dma_wait3A_210 = arith.constant 0 : i32
            %dma_wait3A_211 = tpu.memref_slice %arg14[%scan3A_181, %dma_wait3A_210] : memref<128x128xf32, #tpu.memory_space<vmem>> -> memref<1x128xf32, #tpu.memory_space<vmem>>
            %dma_wait3A_212 = tpu.memref_squeeze %dma_wait3A_211 : memref<1x128xf32, #tpu.memory_space<vmem>> -> memref<128xf32, #tpu.memory_space<vmem>>
            %dma_wait3A_213 = arith.constant 0 : i32
            %dma_wait3A_214 = tpu.memref_slice %arg5[%squeeze3A_192, %dma_wait3A_213] : memref<100000x128xf32, #tpu.memory_space<hbm>> -> memref<1x128xf32, #tpu.memory_space<hbm>>
            %dma_wait3A_215 = tpu.memref_squeeze %dma_wait3A_214 : memref<1x128xf32, #tpu.memory_space<hbm>> -> memref<128xf32, #tpu.memory_space<hbm>>
            %dma_wait3A_216 = arith.constant 0 : i32
            %dma_wait3A_217 = tpu.memref_slice %arg14[%scan3A_181, %dma_wait3A_216] : memref<128x128xf32, #tpu.memory_space<vmem>> -> memref<1x128xf32, #tpu.memory_space<vmem>>
            %dma_wait3A_218 = tpu.memref_squeeze %dma_wait3A_217 : memref<1x128xf32, #tpu.memory_space<vmem>> -> memref<128xf32, #tpu.memory_space<vmem>>
            %dma_wait3A_219 = arith.constant 0 : i32
            %dma_wait3A_220 = tpu.memref_slice %arg5[%squeeze3A_192, %dma_wait3A_219] : memref<100000x128xf32, #tpu.memory_space<hbm>> -> memref<1x128xf32, #tpu.memory_space<hbm>>
            %dma_wait3A_221 = tpu.memref_squeeze %dma_wait3A_220 : memref<1x128xf32, #tpu.memory_space<hbm>> -> memref<128xf32, #tpu.memory_space<hbm>>
            tpu.wait_dma2 semaphore(%run_scoped3A : memref<!tpu.dma_semaphore, #tpu.memory_space<semaphore_mem>>) src(%dma_wait3A_221 : memref<128xf32, #tpu.memory_space<hbm>>) dst(%dma_wait3A_218 : memref<128xf32, #tpu.memory_space<vmem>>)
            tpu.yield
          }) : () -> ()
        } else {
        }
      }
      %scan3A_178 = arith.constant 128 : i32
      %add3A_179 = arith.constant 384 : i32
      %add3A_180 = arith.addi %mul3A_2, %add3A_179 : i32
      "tpu.region"() ({
        %run_scoped3A = tpu.sem_alloc : memref<!tpu.dma_semaphore, #tpu.memory_space<semaphore_mem>>
        %dma_start3A_181 = arith.constant 0 : i32
        %dma_start3A_182 = tpu.memref_slice %arg6[%add3A_180, %dma_start3A_181] : memref<16384x128xf32, #tpu.memory_space<hbm>> -> memref<128x128xf32, #tpu.memory_space<hbm>>
        %dma_start3A_183 = arith.constant 0 : i32
        %dma_start3A_184 = tpu.memref_slice %arg6[%add3A_180, %dma_start3A_183] : memref<16384x128xf32, #tpu.memory_space<hbm>> -> memref<128x128xf32, #tpu.memory_space<hbm>>
        tpu.enqueue_dma source(%arg14 : memref<128x128xf32, #tpu.memory_space<vmem>>) target(%dma_start3A_184 : memref<128x128xf32, #tpu.memory_space<hbm>>) target_semaphore(%run_scoped3A : memref<!tpu.dma_semaphore, #tpu.memory_space<semaphore_mem>>)
        %dma_wait3A_185 = arith.constant 0 : i32
        %dma_wait3A_186 = tpu.memref_slice %arg6[%add3A_180, %dma_wait3A_185] : memref<16384x128xf32, #tpu.memory_space<hbm>> -> memref<128x128xf32, #tpu.memory_space<hbm>>
        %dma_wait3A_187 = arith.constant 0 : i32
        %dma_wait3A_188 = tpu.memref_slice %arg6[%add3A_180, %dma_wait3A_187] : memref<16384x128xf32, #tpu.memory_space<hbm>> -> memref<128x128xf32, #tpu.memory_space<hbm>>
        tpu.wait_dma2 semaphore(%run_scoped3A : memref<!tpu.dma_semaphore, #tpu.memory_space<semaphore_mem>>) src(%arg14 : memref<128x128xf32, #tpu.memory_space<vmem>>) dst(%dma_wait3A_188 : memref<128x128xf32, #tpu.memory_space<hbm>>)
        tpu.yield
      }) : () -> ()
    } else {
    }
    %eq3A = arith.constant 0 : i32
    %eq3A_145 = arith.cmpi eq, %add3A, %eq3A : i32
    %convert_element_type3A_146 = arith.extui %eq3A_145 : i1 to i32
    %cond3A_147 = arith.constant 0 : i32
    %cond3A_148 = arith.cmpi ne, %convert_element_type3A_146, %cond3A_147 : i32
    scf.if %cond3A_148 {
      %broadcast_in_dim3A_149 = arith.constant 0.000000e+00 : f32
      %broadcast_in_dim3A_150 = vector.broadcast %broadcast_in_dim3A_149 : f32 to vector<16xf32>
      %swap3A = arith.constant 0 : index
      %swap3A_151 = tpu.vector_load %arg15[%swap3A] {strides = array<i32>} : memref<16xf32, #tpu.memory_space<vmem>>, vector<16xf32>,
      %swap3A_152 = vector.shape_cast %swap3A_151 : vector<16xf32> to vector<16xf32>
      %swap3A_153 = vector.shape_cast %broadcast_in_dim3A_150 : vector<16xf32> to vector<16xf32>
      tpu.vector_store %arg15[%swap3A], %swap3A_153 {strides = array<i32>} : memref<16xf32, #tpu.memory_space<vmem>>, vector<16xf32>,
      "tpu.region"() ({
        %run_scoped3A = tpu.sem_alloc : memref<!tpu.dma_semaphore, #tpu.memory_space<semaphore_mem>>
        tpu.enqueue_dma source(%arg15 : memref<16xf32, #tpu.memory_space<vmem>>) target(%arg8 : memref<16xf32, #tpu.memory_space<hbm>>) target_semaphore(%run_scoped3A : memref<!tpu.dma_semaphore, #tpu.memory_space<semaphore_mem>>)
        tpu.wait_dma2 semaphore(%run_scoped3A : memref<!tpu.dma_semaphore, #tpu.memory_space<semaphore_mem>>) src(%arg15 : memref<16xf32, #tpu.memory_space<vmem>>) dst(%arg8 : memref<16xf32, #tpu.memory_space<hbm>>)
        tpu.yield
      }) : () -> ()
    } else {
    }
    return
  }
}

</mosaic_0001>

<sc_bundles>
// kernel: kernel.3.cloned.1.call-start
scs
__scs_entry_jumppad:
0x0: {  	(pc) =	sbr.rel $0x88, $3  }
0x1: {  	(tag) =	ssettag $0x0;
	lr =	simm.s32 $0x1  }
0x2: {  	[smem:$0x3F9D] =	sst lr;
	_ =	strace $0xD0000000  }
0x3: {  	_ = 	snop  }
0x4: {  	_ = 	snop  }
0x5: {  	_ = 	snop  }
0x6: {  	_ = 	snop  }
0x7: {  	_ = 	snop  }
__scs_overlays_trampoline_lowered:
0x8: {  	[smem:$0x3FAC] =	sst s0  }
0x9: {  	[smem:$0x3FAD] =	sst s1  }
0xa: {  	[smem:$0x3FAE] =	sst s2  }
0xb: {  	[smem:$0x3FAF] =	sst s3  }
0xc: {  	[smem:$0x3FB0] =	sst s4  }
0xd: {  	[smem:$0x3FB1] =	sst s5  }
0xe: {  	[smem:$0x3FB2] =	sst s6  }
0xf: {  	[smem:$0x3FB3] =	sst s7  }
0x10: {  	[smem:$0x3FB4] =	sst s8  }
0x11: {  	[smem:$0x3FB5] =	sst s9;
	s0 =	simm.s32 @!p0 $0x0  }
0x12: {  	s1 =	sld [smem:$0x3F9B];
	s0 =	simm.s32 @p0 $0x1  }
0x13: {  	[smem:$0x3FB6] =	sst s0;
	s0 =	simm.s32 @!p1 $0x0  }
0x14: {  	s2 =	sld [smem:$0x3F9A];
	s0 =	simm.s32 @p1 $0x1  }
0x15: {  	[smem:$0x3FB7] =	sst s0;
	s0 =	simm.s32 @!p2 $0x0  }
0x16: {  	s3 =	sld [smem:$0x3FDB];
	s0 =	simm.s32 @p2 $0x1  }
0x17: {  	s4 =	simm.s32 $0x1BF5;
	[smem:$0x3FB9] =	sst s0  }
0x18: {  	s0 =	sld [smem:$0x3F9C];
	_ =	swait.ge [sflag:s4], $0x0  }
0x19: {  	s7 =	sld [smem:$0x3F9D]  }
0x1a: {  	s8 =	sadd.s32 $0xFFFFE003, lr  }
0x1b: {  	s9 =	sadd.s32 $0xFFFFFEF7, lr;
	s5 =	simm.s32 $0xFFFFFFFF;
	p2 =	slt.u32 s8, $0xFFFFF086  }
0x1c: {  	p1 =	slt.u32 s9, $0xF7A;
	s5 =	simm.s32 @!p2 $0x0  }
0x1d: {  	s5 =	simm.s32 @p1 $0x1;
	p0 =	seq.s32 s7, s2  }
0x1e: {  	s7 =	smul.u32 @!p0 $0xF7A, s2;
	p2 =	seq.s32 @!p0 s5, $0x0  }
0x1f: {  	s9 =	smul.u32 $0xF7A, s1;
	s8 =	simm.s32 @!p0 $0x1BF5;
	p2 =	por !p2, p0  }
0x20: {  	[sflag:s8] =	ssyncset.s32 @!p0 $0xFFFFF086;
	s6 =	sadd.s32 @!p0 s3, s7;
	s7 =	simm.s32 @!p0 $0x108  }
0x21: {  	s3 =	sadd.s32 s3, s9;
	s6 =	sadd.s32 @!p0 $0x88, s6;
	s7 =	simm.s32 @p2 $0x1082  }
0x22: {  	[simem:s7], [sflag:s8] =	dma.local @!p0 [hbm:s6], $0xF7A  }
0x23: {  	s9 =	sor.u32 $0xD0000000, s2;
	s6 =	simm.s32 $0x108;
	_ =	swait.ge @!p0 [sflag:s8], $0x0  }
0x24: {  	s3 =	sadd.s32 $0x88, s3;
	s6 =	simm.s32 @!p1 $0x1082;
	[sflag:s4] =	ssyncset.s32 $0xFFFFF086  }
0x25: {  	[simem:s6], [sflag:s4] =	dma.local [hbm:s3], $0xF7A  }
0x26: {  	[smem:$0x3F9D] =	sst s1;
	(tag) =	ssettag s2;
	_ =	strace s9  }
0x27: {  	s1 =	sld [smem:$0x3FAD]  }
0x28: {  	s2 =	sld [smem:$0x3FAE]  }
0x29: {  	s4 =	sld [smem:$0x3FB0]  }
0x2a: {  	p0 =	seq.s32 s5, $0x0;
	s5 =	sld [smem:$0x3FB1]  }
0x2b: {  	s6 =	sld [smem:$0x3FB2]  }
0x2c: {  	s7 =	sld [smem:$0x3FB3]  }
0x2d: {  	s3 =	simm.s32 $0x108;
	s8 =	sld [smem:$0x3FB4]  }
0x2e: {  	s3 =	simm.s32 @!p0 $0x1082;
	s9 =	sld [smem:$0x3FB5]  }
0x2f: {  	lr =	sadd.s32 s0, s3;
	s0 =	sld [smem:$0x3FAC]  }
0x30: {  	s3 =	sld [smem:$0x3FAF]  }
0x31: {  	[smem:$0x3FB8] =	sst s10  }
0x32: {  	s10 =	sld [smem:$0x3FB6];
	_ =	sdelay $0x3  }
0x33: {  	p0 =	seq.s32 s10, $0x1;
	s10 =	sld [smem:$0x3FB8];
	_ =	sdelay $0x3  }
0x34: {  	[smem:$0x3FB8] =	sst s10  }
0x35: {  	s10 =	sld [smem:$0x3FB7];
	_ =	sdelay $0x3  }
0x36: {  	p1 =	seq.s32 s10, $0x1;
	s10 =	sld [smem:$0x3FB8];
	_ =	sdelay $0x3  }
0x37: {  	[smem:$0x3FB8] =	sst s10  }
0x38: {  	s10 =	sld [smem:$0x3FB9]  }
0x39: {  	_ = 	snop;
	(pc) =	sbr.ind lr, $3  }
0x3a: {  	_ = 	snop  }
0x3b: {  	_ = 	snop  }
0x3c: {  	p2 =	seq.s32 s10, $0x1;
	s10 =	sld [smem:$0x3FB8]  }
0x3d: {  	_ =	shalt  }
0x3e: {  	_ =	shalt  }
0x3f: {  	_ =	shalt  }
0x40: {  	_ =	shalt  }
0x41: {  	_ =	shalt  }
0x42: {  	_ =	shalt  }
0x43: {  	_ =	shalt  }
0x44: {  	_ =	shalt  }
0x45: {  	_ =	shalt  }
0x46: {  	_ =	shalt  }
0x47: {  	_ =	shalt  }
0x48: {  	_ =	shalt  }
0x49: {  	_ =	shalt  }
0x4a: {  	_ =	shalt  }
0x4b: {  	_ =	shalt  }
0x4c: {  	_ =	shalt  }
0x4d: {  	_ =	shalt  }
0x4e: {  	_ =	shalt  }
0x4f: {  	_ =	shalt  }
0x50: {  	_ =	shalt  }
0x51: {  	_ =	shalt  }
0x52: {  	_ =	shalt  }
0x53: {  	_ =	shalt  }
0x54: {  	_ =	shalt  }
0x55: {  	_ =	shalt  }
0x56: {  	_ =	shalt  }
0x57: {  	_ =	shalt  }
0x58: {  	_ =	shalt  }
0x59: {  	_ =	shalt  }
0x5a: {  	_ =	shalt  }
0x5b: {  	_ =	shalt  }
0x5c: {  	_ =	shalt  }
0x5d: {  	_ =	shalt  }
0x5e: {  	_ =	shalt  }
0x5f: {  	_ =	shalt  }
0x60: {  	_ =	shalt  }
0x61: {  	_ =	shalt  }
0x62: {  	_ =	shalt  }
0x63: {  	_ =	shalt  }
0x64: {  	_ =	shalt  }
0x65: {  	_ =	shalt  }
0x66: {  	_ =	shalt  }
0x67: {  	_ =	shalt  }
0x68: {  	_ =	shalt  }
0x69: {  	_ =	shalt  }
0x6a: {  	_ =	shalt  }
0x6b: {  	_ =	shalt  }
0x6c: {  	_ =	shalt  }
0x6d: {  	_ =	shalt  }
0x6e: {  	_ =	shalt  }
0x6f: {  	_ =	shalt  }
0x70: {  	_ =	shalt  }
0x71: {  	_ =	shalt  }
0x72: {  	_ =	shalt  }
0x73: {  	_ =	shalt  }
0x74: {  	_ =	shalt  }
0x75: {  	_ =	shalt  }
0x76: {  	_ =	shalt  }
0x77: {  	_ =	shalt  }
0x78: {  	_ =	shalt  }
0x79: {  	_ =	shalt  }
0x7a: {  	_ =	shalt  }
0x7b: {  	_ =	shalt  }
0x7c: {  	_ =	shalt  }
0x7d: {  	_ =	shalt  }
0x7e: {  	_ =	shalt  }
0x7f: {  	_ =	shalt  }
0x80: {  	_ =	shalt  }
0x81: {  	_ =	shalt  }
0x82: {  	_ =	shalt  }
0x83: {  	_ =	shalt  }
0x84: {  	_ =	shalt  }
0x85: {  	_ =	shalt  }
0x86: {  	_ =	shalt  }
0x87: {  	_ =	shalt  }
.Lfunc_end0:
.L_simem_size_0:
called_computation_lowered:
.L_overlay_start_0:
0x88: {  	s2 =	sld [smem:$0x3FD9]  }
0x89: {  	s3 =	sld [smem:$0x3FFE];
	_ =	sdelay $0x1  }
0x8a: {  	s1 =	srdreg.scid  }
0x8b: {  	s0 =	sand.u32 $0x1, s1  }
0x8c: {  	s15 =	sshll.u32 s0, $0xA;
	s2 =	sadd.s32 s3, s2  }
0x8d: {  	s2 =	sadd.s32 s2, s15  }
0x8e: {  	[smem:$0x3FC4] =	sst s2  }
0x8f: {  	_ = 	snop  }
0x90: {  	s2 =	sld [smem:$0x3FC9]  }
0x91: {  	s16 =	sld [smem:$0x3FD0]  }
0x92: {  	s4 =	sld [smem:$0x3FC8]  }
0x93: {  	s5 =	sld [smem:$0x3FC7]  }
0x94: {  	s7 =	simm.s32 $0xA;
	s8 =	simm.s32 $0x10;
	s6 =	sld [smem:$0x3FC6]  }
0x95: {  	[smem:s8], [sflag:s7] =	dma.local [hbm:s16], $0x1  }
0x96: {  	_ =	swait.eq [sflag:s7], $0x1  }
0x97: {  	s17 =	sld [smem:$0x10];
	[sflag:s7] =	ssyncset.done $0x0  }
0x98: {  	s18 =	sld [smem:$0x11];
	[sflag:s7] =	ssyncadd.s32 $0xFFFFFFFF  }
0x99: {  	s19 =	sld [smem:$0x12];
	(tm) =	ssettm $0x1  }
0x9a: {  	s9 =	sld [smem:$0x3FFB];
	_ =	sdelay $0x3  }
0x9b: {  	_ =	strace s9  }
0x9c: {  	s9 =	sld [smem:$0x3FFC];
	_ =	sdelay $0x3  }
0x9d: {  	_ =	strace s9  }
0x9e: {  	s9 =	sld [smem:$0x3FFD];
	_ =	sdelay $0x3  }
0x9f: {  	_ =	strace s9  }
0xa0: {  	_ =	strace $0x8FFFFFFF  }
0xa1: {  	s20 =	sld [smem:$0x3FDB];
	_ =	sdelay $0x1  }
0xa2: {  	s10 =	simm.s32 $_scs_section_size  }
0xa3: {  	s11 =	simm.s32 $_size__tile_overlayer_lowered;
	s12 =	simm.s32 $_tile_overlayer_lowered  }
0xa4: {  	s23 =	simm.s32 $0x1BFF;
	s22 =	sshll.u32 s12, $0x1;
	s9 =	sadd.s32 s10, s20  }
0xa5: {  	s13 =	simm.s32 $0x0;
	s21 =	sshll.u32 s11, $0x1;
	s11 =	sadd.s32 s22, s9  }
0xa6: {  	[timem:s13], [sflag:s23] =	dma.local [hbm:s11], s21  }
0xa7: {  	_ =	swait.ge [sflag:s23], s21  }
0xa8: {  	s10 =	ssub.s32 $0x0, s21;
	[sflag:s23] =	ssyncset.done $0x0  }
0xa9: {  	[sflag:s23] =	ssyncadd.s32 s10;
	_ =	sdelay $0x1  }
0xaa: {  	s24 =	simm.s32 $0x1B8B  }
0xab: {  	_ =	swait.ge [sflag:s24], $0x1  }
0xac: {  	[sflag:s24] =	ssyncset.done $0x0  }
0xad: {  	s25 =	simm.s32 $0x1B8E;
	[sflag:s24] =	ssyncadd.s32 $0xFFFFFFFF  }
0xae: {  	s26 =	simm.s32 $execute0_lowered;
	[smem:$0x3FD2] =	sst s25  }
0xaf: {  	s10 =	sshll.u32 s26, $0x1;
	_ =	strace $0x80000046;
	[dreg:$0x1] =	wrdreg $0xFFFFFFFF  }
0xb0: {  	s28 =	simm.s32 $_size_execute0_lowered;
	s9 =	sadd.s32 s9, s10;
	[dreg:$0x0] =	wrdreg $0x0  }
0xb1: {  	s10 =	sshll.u32 s28, $0x1;
	[dreg:$0x2] =	wrdreg s9  }
0xb2: {  	[dreg:$0x3] =	wrdreg s10  }
0xb3: {  	[dreg:$0x4] =	wrdreg $0xC0  }
0xb4: {  	_ =	task [dreg:s13], $0x5FFFF  }
0xb5: {  	[dreg:$0x1] =	wrdreg $0xFFFFFFFF  }
0xb6: {  	[dreg:$0x0] =	wrdreg $0x60  }
0xb7: {  	[dreg:$0x2] =	wrdreg s2  }
0xb8: {  	[dreg:$0x3] =	wrdreg s5  }
0xb9: {  	[dreg:$0x4] =	wrdreg s6  }
0xba: {  	[dreg:$0x5] =	wrdreg s4  }
0xbb: {  	[dreg:$0x6] =	wrdreg s17  }
0xbc: {  	[dreg:$0x7] =	wrdreg s18  }
0xbd: {  	[dreg:$0x8] =	wrdreg s19  }
0xbe: {  	[dreg:$0x9] =	wrdreg $0x9  }
0xbf: {  	_ =	task.clear_ibuf [dreg:s13], $0xAFFFF;
	_ =	strace $0x90000046  }
0xc0: {  	s29 =	simm.s32 $0x9;
	_ =	strace $0x80000048  }
0xc1: {  	_ =	swait.ge [sflag:s29], $0x1  }
0xc2: {  	[sflag:s29] =	ssyncadd.s32 $0xFFFFFFFF  }
0xc3: {  	_ =	strace $0x90000048  }
0xc4: {  	_ =	sfence  }
0xc5: {  	s30 =	sld [smem:$0x0];
	_ =	sdelay $0x2  }
0xc6: {  	s31 =	sshll.u32 s1, $0xD;
	s1 =	sshrl.u32 s1, $0x2  }
0xc7: {  	s3 =	sand.u32 $0x4000, s31;
	s1 =	sadd.s32 s1, s30  }
0xc8: {  	s0 =	sor.u32 s3, s0;
	s1 =	sshll.u32 s1, $0x11  }
0xc9: {  	s0 =	sor.u32 s1, s0  }
0xca: {  	s0 =	sadd.s32 $0x8F2B, s0  }
0xcb: {  	[sflag:s0] =	ssyncadd.remote.s32 $0x1  }
0xcc: {  	_ =	sfence.sel $0xFFFF  }
0xcd: {  	[dreg:$0x0] =	wrdreg $0xFFFFFFFF;
	(pc) =	sbr.abs _section_cstart, $3  }
0xce: {  	[dreg:$0x1] =	wrdreg $0xFFFFFFFF  }
0xcf: {  	_ =	task.clear_ibuf [dreg:s13], $0x2FFFF;
	_ =	strace $0x9FFFFFFF  }
0xd0: {  	(tm) =	ssettm $0x7FFFFFFF  }
0xd1: {  	_ =	shalt  }
tec
execute0_lowered:
.L_overlay_start_1:
0x0: {  	(tag) =	ssettag $0x1  }
0x1: {  	s0 =	rddreg [dreg:$0x0]  }
0x2: {  	s2 =	rddreg [dreg:$0x2]  }
0x3: {  	s3 =	rddreg [dreg:$0x3]  }
0x4: {  	s1 =	rddreg [dreg:$0x4]  }
0x5: {  	s4 =	rddreg [dreg:$0x5]  }
0x6: {  	s5 =	srdreg.scid;
	s7 =	stileid.u32  }
0x7: {  	s6 =	simm.s32 $0x0;
	s14 =	simm.s32 $0x7;
	s15 =	simm.s32 $0x80  }
0x8: {  	s16 =	simm.s32 $0x500;
	s17 =	simm.s32 $0x4500;
	s19 =	simm.s32 $0x8500  }
0x9: {  	s21 =	simm.s32 $0xC500;
	s28 =	simm.s32 $0x4;
	s29 =	simm.s32 $0x6  }
0xa: {  	s30 =	simm.s32 $0x5;
	s31 =	simm.s32 $0x0;
	s5 =	sand.u32 $0x1, s5  }
0xb: {  	s7 =	sshll.u32 s7, $0x1;
	[smem:$0x7FF] =	sst s6;
	s8 =	ssub.s32 $0x2, s5  }
0xc: {  	s5 =	sor.u32 s5, s7;
	_ =	strace $0x80000047;
	s24 =	sshrl.u32 s8, $0x1  }
0xd: {  	s9 =	sshll.u32 s5, $0xD;
	s12 =	sshll.u32 s5, $0x6;
	p0 =	sne.s32 s5, $0x0  }
.Ltmp0:
0xe: {  	s13 =	ssub.s32 s8, s24;
	s7 =	sadd.s32 s1, s9;
	(pc) =	sbr.rel .LBB2_1-.Ltmp0, $4  }
0xf: {  	s0 =	sadd.s32 s0, s12;
	s25 =	sadd.s32 s4, s12;
	s24 =	simm.s32 $0x1  }
0x10: {  	[dreg:$0x8] =	wrdreg s0;
	s9 =	sadd.s32 $0x800, s7;
	s10 =	sadd.s32 $0x1000, s7  }
0x11: {  	s11 =	sadd.s32 $0x1800, s7;
	[dreg:$0x9] =	wrdreg s25;
	s26 =	smax.u32 s13, $0x1  }
0x12: {  	s25 =	simm.s32 $0x2;
	[dreg:$0xa] =	wrdreg s26;
	s26 =	simm.s32 $0x3  }
.LBB2_12:
0x13: {  	s1 =	sshra.s32 s4, $0x2;
	[sflag:s5] =	ssyncadd.s32 @!p2 $0xFFFFFF80  }
0x14: {  	v0 =	vld [tilespmem:s1+$0x400];
	_ =	sdelay $0x4  }
0x15: {  	(v2sf) =	vpush v0, $0x0;
	_ =	sdelay $0xe  }
0x16: {  	s23 =	spop (v2sf)  }
0x17: {  	p1 =	seq.s32 s23, $0xFFFFFFFF  }
0x18: {  	s1 =	sshra.s32 @!p1 s4, $0x2  }
0x19: {  	v0 =	vld @!p1 [tilespmem:s1+$0x180];
	_ =	sdelay $0x4  }
0x1a: {  	(v2sf) =	vpush @!p1 v0, $0x0;
	_ =	sdelay $0xe  }
0x1b: {  	s1 =	spop @!p1 (v2sf)  }
0x1c: {  	s1 =	sshll.u32 @!p1 s1, $0x4  }
0x1d: {  	s1 =	sand.u32 @!p1 $0x1FFFFFF0, s1  }
0x1e: {  	s4 =	simm.s32 @!p1 $0x0;
	s5 =	simm.s32 @!p1 $0x7;
	s1 =	sadd.s32 @!p1 s3, s1  }
0x1f: {  	[tilespmem:s0], [sflag:$0x7] =	stream.linear.gather @!p1 [hbm4b:s1+s4], $0x80, $0x38;
	[tilespmem:$0x10580] =	vst v63  }
0x20: {  	_ =	swait.ge @!p1 [sflag:s5], $0x80  }
0x21: {  	[sflag:s5] =	ssyncset.done @!p1 $0x0  }
0x22: {  	[sflag:s5] =	ssyncadd.s32 @!p1 $0xFFFFFF80  }
0x23: {  	[hbm4b:s11+s6] =	stream.linear.scatter [tilespmem:s21], [sflag:$0x7], $0x4000, $0x38;
	[tilespmem:$0x10580] =	vst v63  }
0x24: {  	_ =	swait.ge [sflag:s14], $0x4000  }
0x25: {  	[sflag:s14] =	ssyncset.done $0x0  }
0x26: {  	[sflag:s14] =	ssyncadd.s32 $0xFFFFC000  }
.LBB2_13:
0x27: {  	v0 =	vimm.f32 @!p0 $0.0e+00  }
0x28: {  	s0 =	simm.s32 @!p0 $0x0;
	s1 =	simm.s32 @!p0 $0x10500;
	s4 =	rddreg [dreg:$0x6];
	[tilespmem:$0x10500] =	vst @!p0 v0  }
0x29: {  	[hbm4b:s4+s0] =	stream.linear.scatter @!p0 [tilespmem:s1], [sflag:$0x7], $0x80, $0x38;
	[tilespmem:$0x10580] =	vst v63  }
0x2a: {  	s0 =	simm.s32 @!p0 $0x7  }
0x2b: {  	_ =	swait.ge @!p0 [sflag:s0], $0x80  }
0x2c: {  	s31 =	sadd.s32 $0x1, s31;
	s23 =	rddreg [dreg:$0xa]  }
0x2d: {  	p1 =	sne.s32 s31, s23  }
.Ltmp1:
0x2e: {  	_ = 	snop;
	(pc) =	sbr.rel @!p1 .LBB2_14-.Ltmp1, $3  }
0x2f: {  	_ =	sdelay $0x1  }
0x30: {  	[sflag:s0] =	ssyncset.done @!p0 $0x0  }
0x31: {  	[sflag:s0] =	ssyncadd.s32 @!p0 $0xFFFFFF80  }
.LBB2_1:
0x32: {  	s0 =	rddreg [dreg:$0x8]  }
0x33: {  	[tilespmem:s6], [sflag:$0x7] =	stream.linear.gather [hbm4b:s0+s6], $0x200, $0x38;
	[tilespmem:$0x10580] =	vst v63  }
0x34: {  	_ =	swait.ge [sflag:s14], $0x200  }
0x35: {  	[sflag:s14] =	ssyncset.done $0x0  }
0x36: {  	[sflag:s14] =	ssyncadd.s32 $0xFFFFFE00  }
0x37: {  	[tilespmem:s16], [sflag:$0x1] =	stream.indirect.gather [hbm4b:s2+s15], $0x80, s6, s15, $0xb8;
	[tilespmem:$0x10580] =	vst v63  }
0x38: {  	_ = 	snop  }
0x39: {  	[tilespmem:s17], [sflag:$0x2] =	stream.indirect.gather [hbm4b:s2+s15], $0x80, s15, s15, $0xb8;
	[tilespmem:$0x10580] =	vst v63  }
0x3a: {  	s13 =	simm.s32 $0x100  }
0x3b: {  	[tilespmem:s19], [sflag:$0x3] =	stream.indirect.gather [hbm4b:s2+s15], $0x80, s13, s15, $0xb8;
	[tilespmem:$0x10580] =	vst v63  }
0x3c: {  	s18 =	simm.s32 $0x180  }
0x3d: {  	[tilespmem:s21], [sflag:$0x4] =	stream.indirect.gather [hbm4b:s2+s15], $0x80, s18, s15, $0xb8;
	[tilespmem:$0x10580] =	vst v63  }
0x3e: {  	s1 =	simm.s32 $0x200;
	s4 =	simm.s32 $0x280;
	s20 =	rddreg [dreg:$0x1]  }
0x3f: {  	[tilespmem:s4], [sflag:$0x6] =	stream.indirect.gather [hbm4b:s20+s1], $0x1, s6, s1, $0xb8;
	[tilespmem:$0x10580] =	vst v63  }
0x40: {  	_ =	swait.ge [sflag:s24], $0x4000  }
0x41: {  	[sflag:s24] =	ssyncset.done $0x0  }
0x42: {  	[sflag:s24] =	ssyncadd.s32 $0xFFFFC000  }
0x43: {  	[hbm4b:s7+s6] =	stream.linear.scatter [tilespmem:s16], [sflag:$0x5], $0x4000, $0x38;
	[tilespmem:$0x10580] =	vst v63  }
0x44: {  	_ =	swait.ge [sflag:s25], $0x4000  }
0x45: {  	[sflag:s25] =	ssyncset.done $0x0  }
0x46: {  	[sflag:s25] =	ssyncadd.s32 $0xFFFFC000  }
0x47: {  	[hbm4b:s9+s6] =	stream.linear.scatter [tilespmem:s17], [sflag:$0x5], $0x4000, $0x38;
	[tilespmem:$0x10580] =	vst v63  }
0x48: {  	_ =	swait.ge [sflag:s26], $0x4000  }
0x49: {  	[sflag:s26] =	ssyncset.done $0x0  }
0x4a: {  	[sflag:s26] =	ssyncadd.s32 $0xFFFFC000  }
0x4b: {  	[hbm4b:s10+s6] =	stream.linear.scatter [tilespmem:s19], [sflag:$0x5], $0x4000, $0x38;
	[tilespmem:$0x10580] =	vst v63  }
0x4c: {  	_ =	swait.ge [sflag:s28], $0x4000  }
0x4d: {  	[sflag:s28] =	ssyncset.done $0x0  }
0x4e: {  	[sflag:s28] =	ssyncadd.s32 $0xFFFFC000  }
0x4f: {  	[hbm4b:s11+s6] =	stream.linear.scatter [tilespmem:s21], [sflag:$0x5], $0x4000, $0x38;
	[tilespmem:$0x10580] =	vst v63  }
0x50: {  	_ =	swait.ge [sflag:s29], $0x200  }
0x51: {  	[sflag:s29] =	ssyncset.done $0x0  }
0x52: {  	s22 =	rddreg [dreg:$0x9];
	[sflag:s29] =	ssyncadd.s32 $0xFFFFFE00  }
0x53: {  	[hbm4b:s22+s6] =	stream.linear.scatter [tilespmem:s4], [sflag:$0x7], $0x200, $0x38;
	[tilespmem:$0x10580] =	vst v63  }
0x54: {  	_ =	swait.ge [sflag:s14], $0x200  }
0x55: {  	[sflag:s14] =	ssyncset.done $0x0  }
0x56: {  	s23 =	simm.s32 $0x0;
	[sflag:s14] =	ssyncadd.s32 $0xFFFFFE00  }
0x57: {  	v0 =	vimm.s32 $0x0;
	s0 =	simm.s32 $0x40;
	v1 =	vld [tilespmem:s23+$0x280]  }
.LBB2_2:
0x58: {  	p1 =	sne.s32 s0, $0x7C0  }
.Ltmp2:
0x59: {  	_ = 	snop;
	(pc) =	sbr.rel @p1 .LBB2_2-.Ltmp2, $3  }
0x5a: {  	_ =	sdelay $0x1  }
0x5b: {  	s1 =	sshra.s32 s0, $0x2;
	s0 =	sadd.s32 $0x40, s0;
	v2 =	vxor.u32 $0xFFFFFFFF, v1  }
0x5c: {  	v1 =	vld [tilespmem:s1+$0x280];
	v0 =	vor.u32 v2, v0  }
0x5d: {  	_ =	sdelay $0x3  }
0x5e: {  	v1 =	vxor.u32 $0xFFFFFFFF, v1  }
0x5f: {  	v0 =	vor.u32 v1, v0  }
0x60: {  	(v2sf) =	vpush v0, $0x0  }
0x61: {  	(v2sf) =	vpush v0, $0x1  }
0x62: {  	(v2sf) =	vpush v0, $0x2  }
0x63: {  	(v2sf) =	vpush v0, $0x3  }
0x64: {  	(v2sf) =	vpush v0, $0x4  }
0x65: {  	(v2sf) =	vpush v0, $0x5  }
0x66: {  	(v2sf) =	vpush v0, $0x6  }
0x67: {  	(v2sf) =	vpush v0, $0x7  }
0x68: {  	(v2sf) =	vpush v0, $0x8  }
0x69: {  	(v2sf) =	vpush v0, $0x9  }
0x6a: {  	(v2sf) =	vpush v0, $0xA  }
0x6b: {  	(v2sf) =	vpush v0, $0xB  }
0x6c: {  	(v2sf) =	vpush v0, $0xC  }
0x6d: {  	(v2sf) =	vpush v0, $0xD  }
0x6e: {  	(v2sf) =	vpush v0, $0xE  }
0x6f: {  	s0 =	spop (v2sf);
	(v2sf) =	vpush v0, $0xF  }
0x70: {  	s1 =	spop (v2sf)  }
0x71: {  	s4 =	spop (v2sf)  }
0x72: {  	s5 =	spop (v2sf)  }
0x73: {  	s18 =	spop (v2sf)  }
0x74: {  	s20 =	spop (v2sf)  }
0x75: {  	s22 =	spop (v2sf)  }
0x76: {  	s0 =	sor.u32 s1, s0;
	s8 =	spop (v2sf)  }
0x77: {  	s0 =	sor.u32 s4, s0;
	s12 =	spop (v2sf)  }
0x78: {  	s0 =	sor.u32 s5, s0;
	s23 =	spop (v2sf)  }
0x79: {  	s0 =	sor.u32 s18, s0;
	s13 =	spop (v2sf)  }
0x7a: {  	s0 =	sor.u32 s20, s0;
	s1 =	spop (v2sf)  }
0x7b: {  	s0 =	sor.u32 s22, s0;
	s4 =	spop (v2sf)  }
0x7c: {  	s0 =	sor.u32 s8, s0;
	s5 =	spop (v2sf)  }
0x7d: {  	s0 =	sor.u32 s12, s0;
	s18 =	spop (v2sf)  }
0x7e: {  	s0 =	sor.u32 s23, s0;
	s20 =	spop (v2sf)  }
0x7f: {  	s0 =	sor.u32 s13, s0;
	_ =	swait.ge [sflag:s30], $0x4000  }
0x80: {  	s0 =	sor.u32 s1, s0;
	[sflag:s30] =	ssyncset.done $0x0  }
0x81: {  	s0 =	sor.u32 s4, s0;
	[sflag:s30] =	ssyncadd.s32 $0xFFFFC000  }
0x82: {  	s0 =	sor.u32 s5, s0;
	_ =	swait.ge [sflag:s30], $0x4000  }
0x83: {  	s0 =	sor.u32 s18, s0;
	[sflag:s30] =	ssyncset.done $0x0  }
0x84: {  	s0 =	sor.u32 s20, s0;
	[sflag:s30] =	ssyncadd.s32 $0xFFFFC000  }
0x85: {  	p1 =	seq.s32 s0, $0x0;
	_ =	swait.ge [sflag:s30], $0x4000  }
.Ltmp3:
0x86: {  	[sflag:s30] =	ssyncset.done $0x0;
	(pc) =	sbr.rel @p1 .LBB2_13-.Ltmp3, $4  }
0x87: {  	[sflag:s30] =	ssyncadd.s32 $0xFFFFC000  }
0x88: {  	_ =	swait.ge [sflag:s30], $0x4000  }
0x89: {  	[sflag:s30] =	ssyncset.done $0x0  }
0x8a: {  	[sflag:s30] =	ssyncadd.s32 $0xFFFFC000  }
0x8b: {  	s0 =	simm.s32 $0x0  }
0x8c: {  	v0 =	vld [tilespmem:s0+$0x280];
	_ =	sdelay $0x4  }
0x8d: {  	(v2sf) =	vpush v0, $0x0;
	_ =	sdelay $0xe  }
0x8e: {  	s23 =	spop (v2sf)  }
0x8f: {  	p2 =	seq.s32 s23, $0xFFFFFFFF  }
0x90: {  	s0 =	simm.s32 @!p2 $0x0  }
0x91: {  	v0 =	vld @!p2 [tilespmem:s0+$0x0];
	_ =	sdelay $0x4  }
0x92: {  	(v2sf) =	vpush @!p2 v0, $0x0;
	_ =	sdelay $0xe  }
0x93: {  	s0 =	spop @!p2 (v2sf)  }
0x94: {  	s0 =	sshll.u32 @!p2 s0, $0x4  }
0x95: {  	s1 =	simm.s32 $0x500;
	s0 =	sand.u32 @!p2 $0x1FFFFFF0, s0  }
0x96: {  	s4 =	simm.s32 @!p2 $0x0;
	s5 =	simm.s32 @!p2 $0x7;
	s0 =	sadd.s32 @!p2 s3, s0  }
0x97: {  	[tilespmem:s1], [sflag:$0x7] =	stream.linear.gather @!p2 [hbm4b:s0+s4], $0x80, $0x38;
	[tilespmem:$0x10580] =	vst v63  }
0x98: {  	s4 =	simm.s32 $0x4;
	_ =	swait.ge @!p2 [sflag:s5], $0x80  }
0x99: {  	s1 =	simm.s32 $0x8;
	s0 =	simm.s32 $0x580;
	[sflag:s5] =	ssyncset.done @!p2 $0x0  }
.LBB2_5:
0x9a: {  	s8 =	sshra.s32 s4, $0x2  }
0x9b: {  	[sflag:s5] =	ssyncadd.s32 @!p2 $0xFFFFFF80;
	s5 =	smov.u32 s1;
	s1 =	sadd.s32 $0x4, s1  }
0x9c: {  	p1 =	sne.s32 s1, $0x200;
	v0 =	vld [tilespmem:s8+$0x280];
	_ =	sdelay $0x4  }
0x9d: {  	(v2sf) =	vpush v0, $0x0;
	_ =	sdelay $0xe  }
0x9e: {  	s8 =	spop (v2sf)  }
0x9f: {  	p2 =	seq.s32 s8, $0xFFFFFFFF  }
0xa0: {  	s8 =	sshra.s32 @!p2 s4, $0x2;
	s4 =	smov.u32 s5  }
0xa1: {  	v0 =	vld @!p2 [tilespmem:s8+$0x0];
	_ =	sdelay $0x4  }
0xa2: {  	(v2sf) =	vpush @!p2 v0, $0x0;
	_ =	sdelay $0xe  }
0xa3: {  	s5 =	spop @!p2 (v2sf)  }
0xa4: {  	s5 =	sshll.u32 @!p2 s5, $0x4  }
.Ltmp4:
0xa5: {  	s5 =	sand.u32 @!p2 $0x1FFFFFF0, s5;
	(pc) =	sbr.rel @p1 .LBB2_5-.Ltmp4, $4  }
0xa6: {  	s12 =	simm.s32 @!p2 $0x0;
	s8 =	sadd.s32 @!p2 s3, s5;
	s5 =	simm.s32 @!p2 $0x7  }
0xa7: {  	[tilespmem:s0], [sflag:$0x7] =	stream.linear.gather @!p2 [hbm4b:s8+s12], $0x80, $0x38;
	[tilespmem:$0x10580] =	vst v63  }
0xa8: {  	_ =	swait.ge @!p2 [sflag:s5], $0x80  }
0xa9: {  	s0 =	sadd.s32 $0x80, s0;
	[sflag:s5] =	ssyncset.done @!p2 $0x0  }
0xaa: {  	s1 =	sshra.s32 s4, $0x2;
	[sflag:s5] =	ssyncadd.s32 @!p2 $0xFFFFFF80  }
0xab: {  	v0 =	vld [tilespmem:s1+$0x280];
	_ =	sdelay $0x4  }
0xac: {  	(v2sf) =	vpush v0, $0x0;
	_ =	sdelay $0xe  }
0xad: {  	s18 =	spop (v2sf)  }
0xae: {  	p1 =	seq.s32 s18, $0xFFFFFFFF  }
0xaf: {  	s1 =	sshra.s32 @!p1 s4, $0x2  }
0xb0: {  	v0 =	vld @!p1 [tilespmem:s1+$0x0];
	_ =	sdelay $0x4  }
0xb1: {  	(v2sf) =	vpush @!p1 v0, $0x0;
	_ =	sdelay $0xe  }
0xb2: {  	s1 =	spop @!p1 (v2sf)  }
0xb3: {  	s1 =	sshll.u32 @!p1 s1, $0x4  }
0xb4: {  	s1 =	sand.u32 @!p1 $0x1FFFFFF0, s1  }
0xb5: {  	s4 =	simm.s32 @!p1 $0x0;
	s5 =	simm.s32 @!p1 $0x7;
	s1 =	sadd.s32 @!p1 s3, s1  }
0xb6: {  	[tilespmem:s0], [sflag:$0x7] =	stream.linear.gather @!p1 [hbm4b:s1+s4], $0x80, $0x38;
	[tilespmem:$0x10580] =	vst v63  }
0xb7: {  	_ =	swait.ge @!p1 [sflag:s5], $0x80  }
0xb8: {  	[sflag:s5] =	ssyncset.done @!p1 $0x0  }
0xb9: {  	s20 =	simm.s32 $0x0;
	[sflag:s5] =	ssyncadd.s32 @!p1 $0xFFFFFF80  }
0xba: {  	[hbm4b:s7+s20] =	stream.linear.scatter [tilespmem:s16], [sflag:$0x7], $0x4000, $0x38;
	[tilespmem:$0x10580] =	vst v63  }
0xbb: {  	_ =	swait.ge [sflag:s14], $0x4000  }
0xbc: {  	[sflag:s14] =	ssyncset.done $0x0  }
0xbd: {  	s22 =	simm.s32 $0x0;
	[sflag:s14] =	ssyncadd.s32 $0xFFFFC000  }
0xbe: {  	v63 =	vld [tilespmem:s22+$0x300];
	_ =	sdelay $0x4  }
0xbf: {  	(v2sf) =	vpush v63, $0x0;
	_ =	sdelay $0xe  }
0xc0: {  	s23 =	spop (v2sf)  }
0xc1: {  	p2 =	seq.s32 s23, $0xFFFFFFFF  }
0xc2: {  	s0 =	simm.s32 @!p2 $0x0  }
0xc3: {  	v0 =	vld @!p2 [tilespmem:s0+$0x80];
	_ =	sdelay $0x4  }
0xc4: {  	(v2sf) =	vpush @!p2 v0, $0x0;
	_ =	sdelay $0xe  }
0xc5: {  	s0 =	spop @!p2 (v2sf)  }
0xc6: {  	s0 =	sshll.u32 @!p2 s0, $0x4  }
0xc7: {  	s1 =	simm.s32 $0x4500;
	s0 =	sand.u32 @!p2 $0x1FFFFFF0, s0  }
0xc8: {  	s4 =	simm.s32 @!p2 $0x0;
	s5 =	simm.s32 @!p2 $0x7;
	s0 =	sadd.s32 @!p2 s3, s0  }
0xc9: {  	[tilespmem:s1], [sflag:$0x7] =	stream.linear.gather @!p2 [hbm4b:s0+s4], $0x80, $0x38;
	[tilespmem:$0x10580] =	vst v63  }
0xca: {  	s4 =	simm.s32 $0x4;
	_ =	swait.ge @!p2 [sflag:s5], $0x80  }
0xcb: {  	s1 =	simm.s32 $0x8;
	s0 =	simm.s32 $0x4580;
	[sflag:s5] =	ssyncset.done @!p2 $0x0  }
.LBB2_7:
0xcc: {  	s8 =	sshra.s32 s4, $0x2  }
0xcd: {  	[sflag:s5] =	ssyncadd.s32 @!p2 $0xFFFFFF80;
	s5 =	smov.u32 s1;
	s1 =	sadd.s32 $0x4, s1  }
0xce: {  	p1 =	sne.s32 s1, $0x200;
	v0 =	vld [tilespmem:s8+$0x300];
	_ =	sdelay $0x4  }
0xcf: {  	(v2sf) =	vpush v0, $0x0;
	_ =	sdelay $0xe  }
0xd0: {  	s8 =	spop (v2sf)  }
0xd1: {  	p2 =	seq.s32 s8, $0xFFFFFFFF  }
0xd2: {  	s8 =	sshra.s32 @!p2 s4, $0x2;
	s4 =	smov.u32 s5  }
0xd3: {  	v0 =	vld @!p2 [tilespmem:s8+$0x80];
	_ =	sdelay $0x4  }
0xd4: {  	(v2sf) =	vpush @!p2 v0, $0x0;
	_ =	sdelay $0xe  }
0xd5: {  	s5 =	spop @!p2 (v2sf)  }
0xd6: {  	s5 =	sshll.u32 @!p2 s5, $0x4  }
.Ltmp5:
0xd7: {  	s5 =	sand.u32 @!p2 $0x1FFFFFF0, s5;
	(pc) =	sbr.rel @p1 .LBB2_7-.Ltmp5, $4  }
0xd8: {  	s12 =	simm.s32 @!p2 $0x0;
	s8 =	sadd.s32 @!p2 s3, s5;
	s5 =	simm.s32 @!p2 $0x7  }
0xd9: {  	[tilespmem:s0], [sflag:$0x7] =	stream.linear.gather @!p2 [hbm4b:s8+s12], $0x80, $0x38;
	[tilespmem:$0x10580] =	vst v63  }
0xda: {  	_ =	swait.ge @!p2 [sflag:s5], $0x80  }
0xdb: {  	s0 =	sadd.s32 $0x80, s0;
	[sflag:s5] =	ssyncset.done @!p2 $0x0  }
0xdc: {  	s1 =	sshra.s32 s4, $0x2;
	[sflag:s5] =	ssyncadd.s32 @!p2 $0xFFFFFF80  }
0xdd: {  	v0 =	vld [tilespmem:s1+$0x300];
	_ =	sdelay $0x4  }
0xde: {  	(v2sf) =	vpush v0, $0x0;
	_ =	sdelay $0xe  }
0xdf: {  	s18 =	spop (v2sf)  }
0xe0: {  	p1 =	seq.s32 s18, $0xFFFFFFFF  }
0xe1: {  	s1 =	sshra.s32 @!p1 s4, $0x2  }
0xe2: {  	v0 =	vld @!p1 [tilespmem:s1+$0x80];
	_ =	sdelay $0x4  }
0xe3: {  	(v2sf) =	vpush @!p1 v0, $0x0;
	_ =	sdelay $0xe  }
0xe4: {  	s1 =	spop @!p1 (v2sf)  }
0xe5: {  	s1 =	sshll.u32 @!p1 s1, $0x4  }
0xe6: {  	s1 =	sand.u32 @!p1 $0x1FFFFFF0, s1  }
0xe7: {  	s4 =	simm.s32 @!p1 $0x0;
	s5 =	simm.s32 @!p1 $0x7;
	s1 =	sadd.s32 @!p1 s3, s1  }
0xe8: {  	[tilespmem:s0], [sflag:$0x7] =	stream.linear.gather @!p1 [hbm4b:s1+s4], $0x80, $0x38;
	[tilespmem:$0x10580] =	vst v63  }
0xe9: {  	_ =	swait.ge @!p1 [sflag:s5], $0x80  }
0xea: {  	[sflag:s5] =	ssyncset.done @!p1 $0x0  }
0xeb: {  	s20 =	simm.s32 $0x0;
	[sflag:s5] =	ssyncadd.s32 @!p1 $0xFFFFFF80  }
0xec: {  	[hbm4b:s9+s20] =	stream.linear.scatter [tilespmem:s17], [sflag:$0x7], $0x4000, $0x38;
	[tilespmem:$0x10580] =	vst v63  }
0xed: {  	_ =	swait.ge [sflag:s14], $0x4000  }
0xee: {  	[sflag:s14] =	ssyncset.done $0x0  }
0xef: {  	s22 =	simm.s32 $0x0;
	[sflag:s14] =	ssyncadd.s32 $0xFFFFC000  }
0xf0: {  	v63 =	vld [tilespmem:s22+$0x380];
	_ =	sdelay $0x4  }
0xf1: {  	(v2sf) =	vpush v63, $0x0;
	_ =	sdelay $0xe  }
0xf2: {  	s23 =	spop (v2sf)  }
0xf3: {  	p2 =	seq.s32 s23, $0xFFFFFFFF  }
0xf4: {  	s0 =	simm.s32 @!p2 $0x0  }
0xf5: {  	v0 =	vld @!p2 [tilespmem:s0+$0x100];
	_ =	sdelay $0x4  }
0xf6: {  	(v2sf) =	vpush @!p2 v0, $0x0;
	_ =	sdelay $0xe  }
0xf7: {  	s0 =	spop @!p2 (v2sf)  }
0xf8: {  	s0 =	sshll.u32 @!p2 s0, $0x4  }
0xf9: {  	s1 =	simm.s32 $0x8500;
	s0 =	sand.u32 @!p2 $0x1FFFFFF0, s0  }
0xfa: {  	s4 =	simm.s32 @!p2 $0x0;
	s5 =	simm.s32 @!p2 $0x7;
	s0 =	sadd.s32 @!p2 s3, s0  }
0xfb: {  	[tilespmem:s1], [sflag:$0x7] =	stream.linear.gather @!p2 [hbm4b:s0+s4], $0x80, $0x38;
	[tilespmem:$0x10580] =	vst v63  }
0xfc: {  	s4 =	simm.s32 $0x4;
	_ =	swait.ge @!p2 [sflag:s5], $0x80  }
0xfd: {  	s1 =	simm.s32 $0x8;
	s0 =	simm.s32 $0x8580;
	[sflag:s5] =	ssyncset.done @!p2 $0x0  }
.LBB2_9:
0xfe: {  	s8 =	sshra.s32 s4, $0x2  }
0xff: {  	[sflag:s5] =	ssyncadd.s32 @!p2 $0xFFFFFF80;
	s5 =	smov.u32 s1;
	s1 =	sadd.s32 $0x4, s1  }
0x100: {  	p1 =	sne.s32 s1, $0x200;
	v0 =	vld [tilespmem:s8+$0x380];
	_ =	sdelay $0x4  }
0x101: {  	(v2sf) =	vpush v0, $0x0;
	_ =	sdelay $0xe  }
0x102: {  	s8 =	spop (v2sf)  }
0x103: {  	p2 =	seq.s32 s8, $0xFFFFFFFF  }
0x104: {  	s8 =	sshra.s32 @!p2 s4, $0x2;
	s4 =	smov.u32 s5  }
0x105: {  	v0 =	vld @!p2 [tilespmem:s8+$0x100];
	_ =	sdelay $0x4  }
0x106: {  	(v2sf) =	vpush @!p2 v0, $0x0;
	_ =	sdelay $0xe  }
0x107: {  	s5 =	spop @!p2 (v2sf)  }
0x108: {  	s5 =	sshll.u32 @!p2 s5, $0x4  }
.Ltmp6:
0x109: {  	s5 =	sand.u32 @!p2 $0x1FFFFFF0, s5;
	(pc) =	sbr.rel @p1 .LBB2_9-.Ltmp6, $4  }
0x10a: {  	s12 =	simm.s32 @!p2 $0x0;
	s8 =	sadd.s32 @!p2 s3, s5;
	s5 =	simm.s32 @!p2 $0x7  }
0x10b: {  	[tilespmem:s0], [sflag:$0x7] =	stream.linear.gather @!p2 [hbm4b:s8+s12], $0x80, $0x38;
	[tilespmem:$0x10580] =	vst v63  }
0x10c: {  	_ =	swait.ge @!p2 [sflag:s5], $0x80  }
0x10d: {  	s0 =	sadd.s32 $0x80, s0;
	[sflag:s5] =	ssyncset.done @!p2 $0x0  }
0x10e: {  	s1 =	sshra.s32 s4, $0x2;
	[sflag:s5] =	ssyncadd.s32 @!p2 $0xFFFFFF80  }
0x10f: {  	v0 =	vld [tilespmem:s1+$0x380];
	_ =	sdelay $0x4  }
0x110: {  	(v2sf) =	vpush v0, $0x0;
	_ =	sdelay $0xe  }
0x111: {  	s18 =	spop (v2sf)  }
0x112: {  	p1 =	seq.s32 s18, $0xFFFFFFFF  }
0x113: {  	s1 =	sshra.s32 @!p1 s4, $0x2  }
0x114: {  	v0 =	vld @!p1 [tilespmem:s1+$0x100];
	_ =	sdelay $0x4  }
0x115: {  	(v2sf) =	vpush @!p1 v0, $0x0;
	_ =	sdelay $0xe  }
0x116: {  	s1 =	spop @!p1 (v2sf)  }
0x117: {  	s1 =	sshll.u32 @!p1 s1, $0x4  }
0x118: {  	s1 =	sand.u32 @!p1 $0x1FFFFFF0, s1  }
0x119: {  	s4 =	simm.s32 @!p1 $0x0;
	s5 =	simm.s32 @!p1 $0x7;
	s1 =	sadd.s32 @!p1 s3, s1  }
0x11a: {  	[tilespmem:s0], [sflag:$0x7] =	stream.linear.gather @!p1 [hbm4b:s1+s4], $0x80, $0x38;
	[tilespmem:$0x10580] =	vst v63  }
0x11b: {  	_ =	swait.ge @!p1 [sflag:s5], $0x80  }
0x11c: {  	[sflag:s5] =	ssyncset.done @!p1 $0x0  }
0x11d: {  	s20 =	simm.s32 $0x0;
	[sflag:s5] =	ssyncadd.s32 @!p1 $0xFFFFFF80  }
0x11e: {  	[hbm4b:s10+s20] =	stream.linear.scatter [tilespmem:s19], [sflag:$0x7], $0x4000, $0x38;
	[tilespmem:$0x10580] =	vst v63  }
0x11f: {  	_ =	swait.ge [sflag:s14], $0x4000  }
0x120: {  	[sflag:s14] =	ssyncset.done $0x0  }
0x121: {  	s22 =	simm.s32 $0x0;
	[sflag:s14] =	ssyncadd.s32 $0xFFFFC000  }
0x122: {  	v63 =	vld [tilespmem:s22+$0x400];
	_ =	sdelay $0x4  }
0x123: {  	(v2sf) =	vpush v63, $0x0;
	_ =	sdelay $0xe  }
0x124: {  	s23 =	spop (v2sf)  }
0x125: {  	p2 =	seq.s32 s23, $0xFFFFFFFF  }
0x126: {  	s0 =	simm.s32 @!p2 $0x0  }
0x127: {  	v0 =	vld @!p2 [tilespmem:s0+$0x180];
	_ =	sdelay $0x4  }
0x128: {  	(v2sf) =	vpush @!p2 v0, $0x0;
	_ =	sdelay $0xe  }
0x129: {  	s0 =	spop @!p2 (v2sf)  }
0x12a: {  	s0 =	sshll.u32 @!p2 s0, $0x4  }
0x12b: {  	s1 =	simm.s32 $0xC500;
	s0 =	sand.u32 @!p2 $0x1FFFFFF0, s0  }
0x12c: {  	s4 =	simm.s32 @!p2 $0x0;
	s5 =	simm.s32 @!p2 $0x7;
	s0 =	sadd.s32 @!p2 s3, s0  }
0x12d: {  	[tilespmem:s1], [sflag:$0x7] =	stream.linear.gather @!p2 [hbm4b:s0+s4], $0x80, $0x38;
	[tilespmem:$0x10580] =	vst v63  }
0x12e: {  	s4 =	simm.s32 $0x4;
	_ =	swait.ge @!p2 [sflag:s5], $0x80  }
0x12f: {  	s1 =	simm.s32 $0x8;
	s0 =	simm.s32 $0xC580;
	[sflag:s5] =	ssyncset.done @!p2 $0x0  }
.LBB2_11:
0x130: {  	s8 =	sshra.s32 s4, $0x2  }
0x131: {  	[sflag:s5] =	ssyncadd.s32 @!p2 $0xFFFFFF80;
	s5 =	smov.u32 s1;
	s1 =	sadd.s32 $0x4, s1  }
0x132: {  	p1 =	sne.s32 s1, $0x200;
	v0 =	vld [tilespmem:s8+$0x400];
	_ =	sdelay $0x4  }
0x133: {  	(v2sf) =	vpush v0, $0x0;
	_ =	sdelay $0xe  }
0x134: {  	s8 =	spop (v2sf)  }
0x135: {  	p2 =	seq.s32 s8, $0xFFFFFFFF  }
0x136: {  	s8 =	sshra.s32 @!p2 s4, $0x2;
	s4 =	smov.u32 s5  }
0x137: {  	v0 =	vld @!p2 [tilespmem:s8+$0x180];
	_ =	sdelay $0x4  }
0x138: {  	(v2sf) =	vpush @!p2 v0, $0x0;
	_ =	sdelay $0xe  }
0x139: {  	s5 =	spop @!p2 (v2sf)  }
0x13a: {  	s5 =	sshll.u32 @!p2 s5, $0x4  }
.Ltmp7:
0x13b: {  	s5 =	sand.u32 @!p2 $0x1FFFFFF0, s5;
	(pc) =	sbr.rel @p1 .LBB2_11-.Ltmp7, $4  }
0x13c: {  	s12 =	simm.s32 @!p2 $0x0;
	s8 =	sadd.s32 @!p2 s3, s5;
	s5 =	simm.s32 @!p2 $0x7  }
0x13d: {  	[tilespmem:s0], [sflag:$0x7] =	stream.linear.gather @!p2 [hbm4b:s8+s12], $0x80, $0x38;
	[tilespmem:$0x10580] =	vst v63  }
0x13e: {  	_ =	swait.ge @!p2 [sflag:s5], $0x80  }
0x13f: {  	s0 =	sadd.s32 $0x80, s0;
	[sflag:s5] =	ssyncset.done @!p2 $0x0  }
.Ltmp8:
0x140: {  	_ = 	snop;
	(pc) =	sbr.rel .LBB2_12-.Ltmp8, $1  }
0x141: {  	_ =	sdelay $0x3  }
.LBB2_14:
0x142: {  	_ =	sfence.sel $0x180000  }
0x143: {  	[bflag:$0x0] =	sbarrier.arrive $0xFFFF  }
0x144: {  	_ =	strace $0x90000047  }
0x145: {  	s0 =	stileid.u32;
	[bflag:$0x2] =	sbarrier.arrive $0xFFFF  }
0x146: {  	p0 =	sne.s32 s0, $0x0;
	s0 =	rddreg [dreg:$0x7]  }
0x147: {  	s0 =	sadd.s32 @!p0 $0x100000, s0  }
0x148: {  	[sflag:s0] =	ssyncadd.tile.s32 @!p0 $0x1;
	_ =	shalt  }
.Lfunc_end2:
_tile_overlayer_lowered:
.L_overlay_start_2:
0x149: {  	(tag) =	ssettag $0x2  }
0x14a: {  	s0 =	rddreg [dreg:$0x0];
	s2 =	stileid.u32  }
0x14b: {  	s1 =	rddreg [dreg:$0x1];
	p0 =	sne.s32 s2, $0x0  }
0x14c: {  	s3 =	rddreg [dreg:$0x2];
	[bflag:$0x3] =	sbarrier.arrive $0xFFFF;
	s2 =	simm.s32 @!p0 $0x1C07  }
0x14d: {  	[timem:s3], [sflag:s2] =	dma.local @!p0 [hbm:s0], s1  }
0x14e: {  	s0 =	simm.s32 @!p0 $0x7  }
0x14f: {  	_ =	swait.ge @!p0 [sflag:s0], s1  }
0x150: {  	s1 =	ssub.s32 @!p0 $0x0, s1;
	[sflag:s0] =	ssyncset.done @!p0 $0x0  }
0x151: {  	[sflag:s0] =	ssyncadd.s32 @!p0 s1  }
0x152: {  	[bflag:$0x3] =	sbarrier.arrive $0xFFFF  }
0x153: {  	_ =	shalt  }

</sc_bundles>
